<compile_context>
chip_gen: v7x
topology: tpu7x:2x2x1
jax: 0.10.2.dev20260603
libtpu: 0.0.44.dev20260713+nightly
codegen_flags: <defaults>
</compile_context>

<pallas_src>
import jax
import jax.numpy as jnp
from jax import lax
from jax.experimental import pallas as pl
from jax.experimental.pallas import tpu as pltpu
from jax.experimental.pallas import tpu_sc as plsc

_B, _V, _F = 1024, 6890, 13776
_PV, _PF = 1000, 2000
_L = 16
_NW = 32
_BPW = _B // _NW
_ROW = _V * 3
_SLOT = _ROW + 2
_MEAN_FULL = _PV // _L
_MEAN_TAIL = _PV - _MEAN_FULL * _L
_VIDS_PAD = 1024
_FACE_ITERS = _PF // _L


def _sc_body(verts_hbm, faces_hbm, vids_hbm, fid_hbm, out_hbm,
             vert_buf, faces_v, fid_v, tri_v, vids_v, res_v, sem0, sem1):
    cid = lax.axis_index("c")
    sid = lax.axis_index("s")
    wid = sid * 2 + cid
    base = wid * _BPW

    lanes = lax.iota(jnp.int32, _L)
    zf = jnp.zeros((_L,), jnp.float32)
    zi = jnp.zeros((_L,), jnp.int32)

    def _start(slot, sem, b):
        pltpu.make_async_copy(
            verts_hbm.at[b], vert_buf.at[pl.ds(slot * _SLOT, _ROW)], sem
        ).start()

    def _wait(slot, sem):
        pltpu.make_async_copy(
            verts_hbm.at[0], vert_buf.at[pl.ds(slot * _SLOT, _ROW)], sem
        ).wait()

    _start(0, sem0, base)

    pltpu.sync_copy(faces_hbm, faces_v)
    pltpu.sync_copy(fid_hbm, fid_v)
    pltpu.sync_copy(vids_hbm, vids_v.at[pl.ds(0, _PV)])
    vids_v[pl.ds(_PV, _L)] = zi
    vids_v[pl.ds(_PV + _L - 8, _L)] = zi

    def vids_body(k, _):
        v = vids_v[pl.ds(k * _L, _L)]
        vids_v[pl.ds(k * _L, _L)] = v * 3
        return 0

    lax.fori_loop(0, _VIDS_PAD // _L, vids_body, 0)

    def tri_body(j, _):
        f3 = fid_v[pl.ds(j * _L, _L)] * 3
        ia = plsc.load_gather(faces_v, [f3])
        ib = plsc.load_gather(faces_v, [f3 + 1])
        ic = plsc.load_gather(faces_v, [f3 + 2])
        tri_v[pl.ds(j * _L, _L)] = ia * 3
        tri_v[pl.ds(_PF + j * _L, _L)] = ib * 3
        tri_v[pl.ds(2 * _PF + j * _L, _L)] = ic * 3
        return 0

    lax.fori_loop(0, _FACE_ITERS, tri_body, 0)

    def batch_body(i, carry):
        res0, res1 = carry
        par = jnp.bitwise_and(i, 1)

        @pl.when(par == 0)
        def _():
            _wait(0, sem0)

        @pl.when(par == 1)
        def _():
            _wait(1, sem1)

        @pl.when(jnp.logical_and(i + 1 < _BPW, par == 0))
        def _():
            _start(1, sem1, base + i + 1)

        @pl.when(jnp.logical_and(i + 1 < _BPW, par == 1))
        def _():
            _start(0, sem0, base + i + 1)

        off = par * _SLOT

        def mean_body(k, c):
            sx, sy, sz = c
            ix = vids_v[pl.ds(k * _L, _L)] + off
            sx = sx + plsc.load_gather(vert_buf, [ix])
            sy = sy + plsc.load_gather(vert_buf, [ix + 1])
            sz = sz + plsc.load_gather(vert_buf, [ix + 2])
            return sx, sy, sz

        sx, sy, sz = lax.fori_loop(0, _MEAN_FULL, mean_body, (zf, zf, zf))
        ix = vids_v[pl.ds(_MEAN_FULL * _L, _L)] + off
        tmask = lanes < _MEAN_TAIL
        sx = sx + jnp.where(tmask, plsc.load_gather(vert_buf, [ix]), 0.0)
        sy = sy + jnp.where(tmask, plsc.load_gather(vert_buf, [ix + 1]), 0.0)
        sz = sz + jnp.where(tmask, plsc.load_gather(vert_buf, [ix + 2]), 0.0)
        mx = jnp.sum(sx) * (1.0 / _PV)
        my = jnp.sum(sy) * (1.0 / _PV)
        mz = jnp.sum(sz) * (1.0 / _PV)

        def face_body(j, acc):
            ja = tri_v[pl.ds(j * _L, _L)] + off
            jb = tri_v[pl.ds(_PF + j * _L, _L)] + off
            jc = tri_v[pl.ds(2 * _PF + j * _L, _L)] + off
            ax = plsc.load_gather(vert_buf, [ja]) - mx
            ay = plsc.load_gather(vert_buf, [ja + 1]) - my
            az = plsc.load_gather(vert_buf, [ja + 2]) - mz
            bx = plsc.load_gather(vert_buf, [jb]) - mx
            by = plsc.load_gather(vert_buf, [jb + 1]) - my
            bz = plsc.load_gather(vert_buf, [jb + 2]) - mz
            cx = plsc.load_gather(vert_buf, [jc]) - mx
            cy = plsc.load_gather(vert_buf, [jc + 1]) - my
            cz = plsc.load_gather(vert_buf, [jc + 2]) - mz
            det = (ax * (by * cz - bz * cy)
                   - ay * (bx * cz - bz * cx)
                   + az * (bx * cy - by * cx))
            return acc + det

        acc = lax.fori_loop(0, _FACE_ITERS, face_body, zf)
        vol = jnp.abs(jnp.sum(acc)) * (1.0 / 6.0)

        res0 = jnp.where(lanes == i, vol, res0)
        res1 = jnp.where(lanes == (i - _L), vol, res1)
        return res0, res1

    res0, res1 = lax.fori_loop(0, _BPW, batch_body, (zf, zf))
    res_v[pl.ds(0, _L)] = res0
    res_v[pl.ds(_L, _L)] = res1
    pltpu.sync_copy(res_v, out_hbm.at[pl.ds(base, _BPW)])


def kernel(vertices, faces, part_vids, part_fid):
    verts2 = vertices.reshape(_B, _ROW)
    faces32 = faces.astype(jnp.int32).reshape(_F * 3)
    vids32 = part_vids.astype(jnp.int32)
    fid32 = part_fid.astype(jnp.int32)
    mesh = plsc.VectorSubcoreMesh(core_axis_name="c", subcore_axis_name="s")
    run = pl.kernel(
        _sc_body,
        out_type=jax.ShapeDtypeStruct((_B,), jnp.float32),
        mesh=mesh,
        compiler_params=pltpu.CompilerParams(
            needs_layout_passes=False, use_tc_tiling_on_sc=False
        ),
        scratch_types=[
            pltpu.VMEM((2 * _SLOT,), jnp.float32),
            pltpu.VMEM((_F * 3,), jnp.int32),
            pltpu.VMEM((_PF,), jnp.int32),
            pltpu.VMEM((3 * _PF,), jnp.int32),
            pltpu.VMEM((_VIDS_PAD,), jnp.int32),
            pltpu.VMEM((_BPW,), jnp.float32),
            pltpu.SemaphoreType.DMA,
            pltpu.SemaphoreType.DMA,
        ],
    )
    return run(verts2, faces32, vids32, fid32)

# --- scband reference (transcript-rebuilt; emitter-appended) ---
"""Pipeline reference for scband-part-volume-55267639165199 (READ-ONLY COPY).

The authoritative reference and input builder live on the scoring server;
editing this copy changes nothing except your own understanding.
"""

import jax, jax.numpy as jnp
import numpy as np

B, V, F = 1024, 6890, 13776
P_V, P_F = 1000, 2000

def setup_inputs(seed: int = 0) -> dict:
    key = jax.random.key(seed)
    k1, k2, k3, k4 = jax.random.split(key, 4)
    vertices = jax.random.normal(k1, (B, V, 3), dtype=jnp.float32)
    faces = jax.random.randint(k2, (F, 3), 0, V, dtype=jnp.int64)
    part_vids = jax.random.randint(k3, (P_V,), 0, V, dtype=jnp.int64)
    part_fid = jax.random.randint(k4, (P_F,), 0, F, dtype=jnp.int64)
    return {"vertices": vertices, "faces": faces, "part_vids": part_vids, "part_fid": part_fid}

def reference(vertices, faces, part_vids, part_fid):
    # extract_part_triangles: gather part vertices, center by part mean,
    # gather triangles via part faces (index_select over vertex dim)
    batch_size = vertices.shape[0]
    part_vertices = vertices[:, part_vids, :]              # [B, P_V, 3]
    part_faces = faces[part_fid, :]                        # [P_F, 3]
    part_mean = part_vertices.mean(axis=1, keepdims=True)  # [B, 1, 3]
    verts_centered = vertices - part_mean                  # [B, V, 3]
    part_triangles = jnp.take(verts_centered, part_faces.reshape(-1), axis=1).reshape(batch_size, -1, 3, 3)
    # part_volume: signed tetra volume sum, abs, /6
    x = part_triangles[:, :, :, 0]
    y = part_triangles[:, :, :, 1]
    z = part_triangles[:, :, :, 2]
    volume = (
        -x[:, :, 2] * y[:, :, 1] * z[:, :, 0]
        + x[:, :, 1] * y[:, :, 2] * z[:, :, 0]
        + x[:, :, 2] * y[:, :, 0] * z[:, :, 1]
        - x[:, :, 0] * y[:, :, 2] * z[:, :, 1]
        - x[:, :, 1] * y[:, :, 0] * z[:, :, 2]
        + x[:, :, 0] * y[:, :, 1] * z[:, :, 2]
    ).sum(axis=1)
    volume = jnp.abs(volume) / 6.0
    return volume

if __name__ == "__main__":
    import jax
    _d = setup_inputs()
    print(jax.jit(kernel)(*tuple(_d.values())))

</pallas_src>

<mosaic_0001>
#map = affine_map<(d0, d1) -> (0, 0)>
#map1 = affine_map<(d0, d1) -> (0)>
module attributes {stable_mosaic.version = 14 : i64} {
  func.func @_sc_body(%arg0: i32, %arg1: i32, %arg2: memref<1024x20670xf32, #tpu.memory_space<hbm>>, %arg3: memref<41328xi32, #tpu.memory_space<hbm>>, %arg4: memref<1000xi32, #tpu.memory_space<hbm>>, %arg5: memref<2000xi32, #tpu.memory_space<hbm>>, %arg6: memref<1024xf32, #tpu.memory_space<hbm>>, %arg7: memref<41344xf32, #tpu.memory_space<vmem>>, %arg8: memref<41328xi32, #tpu.memory_space<vmem>>, %arg9: memref<2000xi32, #tpu.memory_space<vmem>>, %arg10: memref<6000xi32, #tpu.memory_space<vmem>>, %arg11: memref<1024xi32, #tpu.memory_space<vmem>>, %arg12: memref<32xf32, #tpu.memory_space<vmem>>, %arg13: memref<!tpu.dma_semaphore, #tpu.memory_space<semaphore_mem>>, %arg14: memref<!tpu.dma_semaphore, #tpu.memory_space<semaphore_mem>>) attributes {dimension_semantics = [#tpu.dimension_semantics<core_parallel>, #tpu.dimension_semantics<subcore_parallel>], iteration_bounds = array<i64: 2, 16>, scalar_prefetch = 0 : i64, scratch_operands = 8 : i64, tpu.core_type = #tpu.core_type<sc_vector_subcore>, window_params = [{transform_indices = #map}, {transform_indices = #map1}, {transform_indices = #map1}, {transform_indices = #map1}, {transform_indices = #map1}]} {
    %mul3A = arith.constant 2 : i32
    %mul3A_0 = arith.muli %arg1, %mul3A : i32
    %add3A = arith.addi %mul3A_0, %arg0 : i32
    %mul3A_1 = arith.constant 32 : i32
    %mul3A_2 = arith.muli %add3A, %mul3A_1 : i32
    %iota3A = tpu.iota {dimensions = array<i32: 0>} : vector<16xi32>
    %broadcast_in_dim3A = arith.constant 0.000000e+00 : f32
    %broadcast_in_dim3A_3 = vector.broadcast %broadcast_in_dim3A : f32 to vector<16xf32>
    %broadcast_in_dim3A_4 = arith.constant 0 : i32
    %broadcast_in_dim3A_5 = vector.broadcast %broadcast_in_dim3A_4 : i32 to vector<16xi32>
    %dma_start3A = arith.constant 0 : i32
    %dma_start3A_6 = tpu.memref_slice %arg7[%dma_start3A] : memref<41344xf32, #tpu.memory_space<vmem>> -> memref<20670xf32, #tpu.memory_space<vmem>>
    %dma_start3A_7 = arith.constant 0 : i32
    %dma_start3A_8 = tpu.memref_slice %arg2[%mul3A_2, %dma_start3A_7] : memref<1024x20670xf32, #tpu.memory_space<hbm>> -> memref<1x20670xf32, #tpu.memory_space<hbm>>
    %dma_start3A_9 = tpu.memref_squeeze %dma_start3A_8 : memref<1x20670xf32, #tpu.memory_space<hbm>> -> memref<20670xf32, #tpu.memory_space<hbm>>
    %dma_start3A_10 = arith.constant 0 : i32
    %dma_start3A_11 = tpu.memref_slice %arg7[%dma_start3A_10] : memref<41344xf32, #tpu.memory_space<vmem>> -> memref<20670xf32, #tpu.memory_space<vmem>>
    %dma_start3A_12 = arith.constant 0 : i32
    %dma_start3A_13 = tpu.memref_slice %arg2[%mul3A_2, %dma_start3A_12] : memref<1024x20670xf32, #tpu.memory_space<hbm>> -> memref<1x20670xf32, #tpu.memory_space<hbm>>
    %dma_start3A_14 = tpu.memref_squeeze %dma_start3A_13 : memref<1x20670xf32, #tpu.memory_space<hbm>> -> memref<20670xf32, #tpu.memory_space<hbm>>
    tpu.enqueue_dma source(%dma_start3A_14 : memref<20670xf32, #tpu.memory_space<hbm>>) target(%dma_start3A_11 : memref<20670xf32, #tpu.memory_space<vmem>>) target_semaphore(%arg13 : memref<!tpu.dma_semaphore, #tpu.memory_space<semaphore_mem>>)
    "tpu.region"() ({
      %run_scoped3A = tpu.sem_alloc : memref<!tpu.dma_semaphore, #tpu.memory_space<semaphore_mem>>
      tpu.enqueue_dma source(%arg3 : memref<41328xi32, #tpu.memory_space<hbm>>) target(%arg8 : memref<41328xi32, #tpu.memory_space<vmem>>) target_semaphore(%run_scoped3A : memref<!tpu.dma_semaphore, #tpu.memory_space<semaphore_mem>>)
      tpu.wait_dma2 semaphore(%run_scoped3A : memref<!tpu.dma_semaphore, #tpu.memory_space<semaphore_mem>>) src(%arg3 : memref<41328xi32, #tpu.memory_space<hbm>>) dst(%arg8 : memref<41328xi32, #tpu.memory_space<vmem>>)
      tpu.yield
    }) : () -> ()
    "tpu.region"() ({
      %run_scoped3A = tpu.sem_alloc : memref<!tpu.dma_semaphore, #tpu.memory_space<semaphore_mem>>
      tpu.enqueue_dma source(%arg5 : memref<2000xi32, #tpu.memory_space<hbm>>) target(%arg9 : memref<2000xi32, #tpu.memory_space<vmem>>) target_semaphore(%run_scoped3A : memref<!tpu.dma_semaphore, #tpu.memory_space<semaphore_mem>>)
      tpu.wait_dma2 semaphore(%run_scoped3A : memref<!tpu.dma_semaphore, #tpu.memory_space<semaphore_mem>>) src(%arg5 : memref<2000xi32, #tpu.memory_space<hbm>>) dst(%arg9 : memref<2000xi32, #tpu.memory_space<vmem>>)
      tpu.yield
    }) : () -> ()
    "tpu.region"() ({
      %run_scoped3A = tpu.sem_alloc : memref<!tpu.dma_semaphore, #tpu.memory_space<semaphore_mem>>
      %dma_start3A_41 = arith.constant 0 : i32
      %dma_start3A_42 = tpu.memref_slice %arg11[%dma_start3A_41] : memref<1024xi32, #tpu.memory_space<vmem>> -> memref<1000xi32, #tpu.memory_space<vmem>>
      %dma_start3A_43 = arith.constant 0 : i32
      %dma_start3A_44 = tpu.memref_slice %arg11[%dma_start3A_43] : memref<1024xi32, #tpu.memory_space<vmem>> -> memref<1000xi32, #tpu.memory_space<vmem>>
      tpu.enqueue_dma source(%arg4 : memref<1000xi32, #tpu.memory_space<hbm>>) target(%dma_start3A_44 : memref<1000xi32, #tpu.memory_space<vmem>>) target_semaphore(%run_scoped3A : memref<!tpu.dma_semaphore, #tpu.memory_space<semaphore_mem>>)
      %dma_wait3A = arith.constant 0 : i32
      %dma_wait3A_45 = tpu.memref_slice %arg11[%dma_wait3A] : memref<1024xi32, #tpu.memory_space<vmem>> -> memref<1000xi32, #tpu.memory_space<vmem>>
      %dma_wait3A_46 = arith.constant 0 : i32
      %dma_wait3A_47 = tpu.memref_slice %arg11[%dma_wait3A_46] : memref<1024xi32, #tpu.memory_space<vmem>> -> memref<1000xi32, #tpu.memory_space<vmem>>
      tpu.wait_dma2 semaphore(%run_scoped3A : memref<!tpu.dma_semaphore, #tpu.memory_space<semaphore_mem>>) src(%arg4 : memref<1000xi32, #tpu.memory_space<hbm>>) dst(%dma_wait3A_47 : memref<1000xi32, #tpu.memory_space<vmem>>)
      tpu.yield
    }) : () -> ()
    %swap3A = arith.constant 1000 : index
    %swap3A_15 = tpu.vector_load %arg11[%swap3A] {strides = array<i32>} : memref<1024xi32, #tpu.memory_space<vmem>>, vector<16xi32>,
    tpu.vector_store %arg11[%swap3A], %broadcast_in_dim3A_5 {strides = array<i32>} : memref<1024xi32, #tpu.memory_space<vmem>>, vector<16xi32>,
    %swap3A_16 = arith.constant 1008 : index
    %swap3A_17 = tpu.vector_load %arg11[%swap3A_16] {strides = array<i32>} : memref<1024xi32, #tpu.memory_space<vmem>>, vector<16xi32>,
    tpu.vector_store %arg11[%swap3A_16], %broadcast_in_dim3A_5 {strides = array<i32>} : memref<1024xi32, #tpu.memory_space<vmem>>, vector<16xi32>,
    %scan3A = arith.constant 0 : i32
    %scan3A_18 = arith.constant 0 : i32
    %scan3A_19 = arith.constant 64 : i32
    %scan3A_20 = arith.addi %scan3A_18, %scan3A_19 : i32
    %scan3A_21 = arith.constant 1 : i32
    %scan3A_22 = scf.for %scan3A_41 = %scan3A_18 to %scan3A_20 step %scan3A_21 iter_args(%scan3A_42 = %scan3A) -> (i32)  : i32 {
      %mul3A_43 = arith.constant 16 : i32
      %mul3A_44 = arith.muli %scan3A_41, %mul3A_43 : i32
      %get3A = arith.index_cast %mul3A_44 : i32 to index
      %get3A_45 = tpu.vector_load %arg11[%get3A] {strides = array<i32>} : memref<1024xi32, #tpu.memory_space<vmem>>, vector<16xi32>,
      %mul3A_46 = arith.constant 3 : i32
      %mul3A_47 = vector.broadcast %mul3A_46 : i32 to vector<16xi32>
      %mul3A_48 = arith.muli %get3A_45, %mul3A_47 : vector<16xi32>
      %mul3A_49 = arith.constant 16 : i32
      %mul3A_50 = arith.muli %scan3A_41, %mul3A_49 : i32
      %swap3A_51 = arith.index_cast %mul3A_50 : i32 to index
      %swap3A_52 = tpu.vector_load %arg11[%swap3A_51] {strides = array<i32>} : memref<1024xi32, #tpu.memory_space<vmem>>, vector<16xi32>,
      tpu.vector_store %arg11[%swap3A_51], %mul3A_48 {strides = array<i32>} : memref<1024xi32, #tpu.memory_space<vmem>>, vector<16xi32>,
      %scan3A_53 = arith.constant 0 : i32
      scf.yield %scan3A_53 : i32
    }
    %scan3A_23 = arith.constant 64 : i32
    %scan3A_24 = arith.constant 0 : i32
    %scan3A_25 = arith.constant 0 : i32
    %scan3A_26 = arith.constant 125 : i32
    %scan3A_27 = arith.addi %scan3A_25, %scan3A_26 : i32
    %scan3A_28 = arith.constant 1 : i32
    %scan3A_29 = scf.for %scan3A_41 = %scan3A_25 to %scan3A_27 step %scan3A_28 iter_args(%scan3A_42 = %scan3A_24) -> (i32)  : i32 {
      %mul3A_43 = arith.constant 16 : i32
      %mul3A_44 = arith.muli %scan3A_41, %mul3A_43 : i32
      %get3A = arith.index_cast %mul3A_44 : i32 to index
      %get3A_45 = tpu.vector_load %arg9[%get3A] {strides = array<i32>} : memref<2000xi32, #tpu.memory_space<vmem>>, vector<16xi32>,
      %mul3A_46 = arith.constant 3 : i32
      %mul3A_47 = vector.broadcast %mul3A_46 : i32 to vector<16xi32>
      %mul3A_48 = arith.muli %get3A_45, %mul3A_47 : vector<16xi32>
      %gather3A = tpu.vector_load_idx %arg8[%mul3A_48] : memref<41328xi32, #tpu.memory_space<vmem>>[vector<16xi32>], vector<16xi32>,
      %add3A_49 = arith.constant 1 : i32
      %add3A_50 = vector.broadcast %add3A_49 : i32 to vector<16xi32>
      %add3A_51 = arith.addi %mul3A_48, %add3A_50 : vector<16xi32>
      %gather3A_52 = tpu.vector_load_idx %arg8[%add3A_51] : memref<41328xi32, #tpu.memory_space<vmem>>[vector<16xi32>], vector<16xi32>,
      %add3A_53 = arith.constant 2 : i32
      %add3A_54 = vector.broadcast %add3A_53 : i32 to vector<16xi32>
      %add3A_55 = arith.addi %mul3A_48, %add3A_54 : vector<16xi32>
      %gather3A_56 = tpu.vector_load_idx %arg8[%add3A_55] : memref<41328xi32, #tpu.memory_space<vmem>>[vector<16xi32>], vector<16xi32>,
      %mul3A_57 = arith.constant 3 : i32
      %mul3A_58 = vector.broadcast %mul3A_57 : i32 to vector<16xi32>
      %mul3A_59 = arith.muli %gather3A, %mul3A_58 : vector<16xi32>
      %mul3A_60 = arith.constant 16 : i32
      %mul3A_61 = arith.muli %scan3A_41, %mul3A_60 : i32
      %swap3A_62 = arith.index_cast %mul3A_61 : i32 to index
      %swap3A_63 = tpu.vector_load %arg10[%swap3A_62] {strides = array<i32>} : memref<6000xi32, #tpu.memory_space<vmem>>, vector<16xi32>,
      tpu.vector_store %arg10[%swap3A_62], %mul3A_59 {strides = array<i32>} : memref<6000xi32, #tpu.memory_space<vmem>>, vector<16xi32>,
      %mul3A_64 = arith.constant 3 : i32
      %mul3A_65 = vector.broadcast %mul3A_64 : i32 to vector<16xi32>
      %mul3A_66 = arith.muli %gather3A_52, %mul3A_65 : vector<16xi32>
      %mul3A_67 = arith.constant 16 : i32
      %mul3A_68 = arith.muli %scan3A_41, %mul3A_67 : i32
      %add3A_69 = arith.constant 2000 : i32
      %add3A_70 = arith.addi %add3A_69, %mul3A_68 : i32
      %swap3A_71 = arith.index_cast %add3A_70 : i32 to index
      %swap3A_72 = tpu.vector_load %arg10[%swap3A_71] {strides = array<i32>} : memref<6000xi32, #tpu.memory_space<vmem>>, vector<16xi32>,
      tpu.vector_store %arg10[%swap3A_71], %mul3A_66 {strides = array<i32>} : memref<6000xi32, #tpu.memory_space<vmem>>, vector<16xi32>,
      %mul3A_73 = arith.constant 3 : i32
      %mul3A_74 = vector.broadcast %mul3A_73 : i32 to vector<16xi32>
      %mul3A_75 = arith.muli %gather3A_56, %mul3A_74 : vector<16xi32>
      %mul3A_76 = arith.constant 16 : i32
      %mul3A_77 = arith.muli %scan3A_41, %mul3A_76 : i32
      %add3A_78 = arith.constant 4000 : i32
      %add3A_79 = arith.addi %add3A_78, %mul3A_77 : i32
      %swap3A_80 = arith.index_cast %add3A_79 : i32 to index
      %swap3A_81 = tpu.vector_load %arg10[%swap3A_80] {strides = array<i32>} : memref<6000xi32, #tpu.memory_space<vmem>>, vector<16xi32>,
      tpu.vector_store %arg10[%swap3A_80], %mul3A_75 {strides = array<i32>} : memref<6000xi32, #tpu.memory_space<vmem>>, vector<16xi32>,
      %scan3A_82 = arith.constant 0 : i32
      scf.yield %scan3A_82 : i32
    }
    %scan3A_30 = arith.constant 125 : i32
    %scan3A_31 = arith.constant 0 : i32
    %scan3A_32 = arith.constant 32 : i32
    %scan3A_33 = arith.addi %scan3A_31, %scan3A_32 : i32
    %scan3A_34 = arith.constant 1 : i32
    %scan3A_35:2 = scf.for %scan3A_41 = %scan3A_31 to %scan3A_33 step %scan3A_34 iter_args(%scan3A_42 = %broadcast_in_dim3A_3, %scan3A_43 = %broadcast_in_dim3A_3) -> (vector<16xf32>, vector<16xf32>)  : i32 {
      %and3A = arith.constant 1 : i32
      %and3A_44 = arith.andi %scan3A_41, %and3A : i32
      %eq3A = arith.constant 0 : i32
      %eq3A_45 = arith.cmpi eq, %and3A_44, %eq3A : i32
      %convert_element_type3A = arith.extui %eq3A_45 : i1 to i32
      %cond3A = arith.constant 0 : i32
      %cond3A_46 = arith.cmpi ne, %convert_element_type3A, %cond3A : i32
      scf.if %cond3A_46 {
        %dma_wait3A = arith.constant 0 : i32
        %dma_wait3A_141 = arith.constant 0 : i32
        %dma_wait3A_142 = tpu.memref_slice %arg7[%dma_wait3A_141] : memref<41344xf32, #tpu.memory_space<vmem>> -> memref<20670xf32, #tpu.memory_space<vmem>>
        %dma_wait3A_143 = arith.constant 0 : i32
        %dma_wait3A_144 = tpu.memref_slice %arg2[%dma_wait3A, %dma_wait3A_143] : memref<1024x20670xf32, #tpu.memory_space<hbm>> -> memref<1x20670xf32, #tpu.memory_space<hbm>>
        %dma_wait3A_145 = tpu.memref_squeeze %dma_wait3A_144 : memref<1x20670xf32, #tpu.memory_space<hbm>> -> memref<20670xf32, #tpu.memory_space<hbm>>
        %dma_wait3A_146 = arith.constant 0 : i32
        %dma_wait3A_147 = tpu.memref_slice %arg7[%dma_wait3A_146] : memref<41344xf32, #tpu.memory_space<vmem>> -> memref<20670xf32, #tpu.memory_space<vmem>>
        %dma_wait3A_148 = arith.constant 0 : i32
        %dma_wait3A_149 = tpu.memref_slice %arg2[%dma_wait3A, %dma_wait3A_148] : memref<1024x20670xf32, #tpu.memory_space<hbm>> -> memref<1x20670xf32, #tpu.memory_space<hbm>>
        %dma_wait3A_150 = tpu.memref_squeeze %dma_wait3A_149 : memref<1x20670xf32, #tpu.memory_space<hbm>> -> memref<20670xf32, #tpu.memory_space<hbm>>
        tpu.wait_dma2 semaphore(%arg13 : memref<!tpu.dma_semaphore, #tpu.memory_space<semaphore_mem>>) src(%dma_wait3A_150 : memref<20670xf32, #tpu.memory_space<hbm>>) dst(%dma_wait3A_147 : memref<20670xf32, #tpu.memory_space<vmem>>)
      } else {
      }
      %eq3A_47 = arith.constant 1 : i32
      %eq3A_48 = arith.cmpi eq, %and3A_44, %eq3A_47 : i32
      %convert_element_type3A_49 = arith.extui %eq3A_48 : i1 to i32
      %cond3A_50 = arith.constant 0 : i32
      %cond3A_51 = arith.cmpi ne, %convert_element_type3A_49, %cond3A_50 : i32
      scf.if %cond3A_51 {
        %dma_wait3A = arith.constant 0 : i32
        %dma_wait3A_141 = arith.constant 20672 : i32
        %dma_wait3A_142 = tpu.memref_slice %arg7[%dma_wait3A_141] : memref<41344xf32, #tpu.memory_space<vmem>> -> memref<20670xf32, #tpu.memory_space<vmem>>
        %dma_wait3A_143 = arith.constant 0 : i32
        %dma_wait3A_144 = tpu.memref_slice %arg2[%dma_wait3A, %dma_wait3A_143] : memref<1024x20670xf32, #tpu.memory_space<hbm>> -> memref<1x20670xf32, #tpu.memory_space<hbm>>
        %dma_wait3A_145 = tpu.memref_squeeze %dma_wait3A_144 : memref<1x20670xf32, #tpu.memory_space<hbm>> -> memref<20670xf32, #tpu.memory_space<hbm>>
        %dma_wait3A_146 = arith.constant 20672 : i32
        %dma_wait3A_147 = tpu.memref_slice %arg7[%dma_wait3A_146] : memref<41344xf32, #tpu.memory_space<vmem>> -> memref<20670xf32, #tpu.memory_space<vmem>>
        %dma_wait3A_148 = arith.constant 0 : i32
        %dma_wait3A_149 = tpu.memref_slice %arg2[%dma_wait3A, %dma_wait3A_148] : memref<1024x20670xf32, #tpu.memory_space<hbm>> -> memref<1x20670xf32, #tpu.memory_space<hbm>>
        %dma_wait3A_150 = tpu.memref_squeeze %dma_wait3A_149 : memref<1x20670xf32, #tpu.memory_space<hbm>> -> memref<20670xf32, #tpu.memory_space<hbm>>
        tpu.wait_dma2 semaphore(%arg14 : memref<!tpu.dma_semaphore, #tpu.memory_space<semaphore_mem>>) src(%dma_wait3A_150 : memref<20670xf32, #tpu.memory_space<hbm>>) dst(%dma_wait3A_147 : memref<20670xf32, #tpu.memory_space<vmem>>)
      } else {
      }
      %add3A_52 = arith.constant 1 : i32
      %add3A_53 = arith.addi %scan3A_41, %add3A_52 : i32
      %lt3A = arith.constant 32 : i32
      %lt3A_54 = arith.cmpi slt, %add3A_53, %lt3A : i32
      %eq3A_55 = arith.constant 0 : i32
      %eq3A_56 = arith.cmpi eq, %and3A_44, %eq3A_55 : i32
      %and3A_57 = arith.andi %lt3A_54, %eq3A_56 : i1
      %convert_element_type3A_58 = arith.extui %and3A_57 : i1 to i32
      %cond3A_59 = arith.constant 0 : i32
      %cond3A_60 = arith.cmpi ne, %convert_element_type3A_58, %cond3A_59 : i32
      scf.if %cond3A_60 {
        %add3A_141 = arith.addi %mul3A_2, %scan3A_41 : i32
        %add3A_142 = arith.constant 1 : i32
        %add3A_143 = arith.addi %add3A_141, %add3A_142 : i32
        %dma_start3A_144 = arith.constant 20672 : i32
        %dma_start3A_145 = tpu.memref_slice %arg7[%dma_start3A_144] : memref<41344xf32, #tpu.memory_space<vmem>> -> memref<20670xf32, #tpu.memory_space<vmem>>
        %dma_start3A_146 = arith.constant 0 : i32
        %dma_start3A_147 = tpu.memref_slice %arg2[%add3A_143, %dma_start3A_146] : memref<1024x20670xf32, #tpu.memory_space<hbm>> -> memref<1x20670xf32, #tpu.memory_space<hbm>>
        %dma_start3A_148 = tpu.memref_squeeze %dma_start3A_147 : memref<1x20670xf32, #tpu.memory_space<hbm>> -> memref<20670xf32, #tpu.memory_space<hbm>>
        %dma_start3A_149 = arith.constant 20672 : i32
        %dma_start3A_150 = tpu.memref_slice %arg7[%dma_start3A_149] : memref<41344xf32, #tpu.memory_space<vmem>> -> memref<20670xf32, #tpu.memory_space<vmem>>
        %dma_start3A_151 = arith.constant 0 : i32
        %dma_start3A_152 = tpu.memref_slice %arg2[%add3A_143, %dma_start3A_151] : memref<1024x20670xf32, #tpu.memory_space<hbm>> -> memref<1x20670xf32, #tpu.memory_space<hbm>>
        %dma_start3A_153 = tpu.memref_squeeze %dma_start3A_152 : memref<1x20670xf32, #tpu.memory_space<hbm>> -> memref<20670xf32, #tpu.memory_space<hbm>>
        tpu.enqueue_dma source(%dma_start3A_153 : memref<20670xf32, #tpu.memory_space<hbm>>) target(%dma_start3A_150 : memref<20670xf32, #tpu.memory_space<vmem>>) target_semaphore(%arg14 : memref<!tpu.dma_semaphore, #tpu.memory_space<semaphore_mem>>)
      } else {
      }
      %add3A_61 = arith.constant 1 : i32
      %add3A_62 = arith.addi %scan3A_41, %add3A_61 : i32
      %lt3A_63 = arith.constant 32 : i32
      %lt3A_64 = arith.cmpi slt, %add3A_62, %lt3A_63 : i32
      %eq3A_65 = arith.constant 1 : i32
      %eq3A_66 = arith.cmpi eq, %and3A_44, %eq3A_65 : i32
      %and3A_67 = arith.andi %lt3A_64, %eq3A_66 : i1
      %convert_element_type3A_68 = arith.extui %and3A_67 : i1 to i32
      %cond3A_69 = arith.constant 0 : i32
      %cond3A_70 = arith.cmpi ne, %convert_element_type3A_68, %cond3A_69 : i32
      scf.if %cond3A_70 {
        %add3A_141 = arith.addi %mul3A_2, %scan3A_41 : i32
        %add3A_142 = arith.constant 1 : i32
        %add3A_143 = arith.addi %add3A_141, %add3A_142 : i32
        %dma_start3A_144 = arith.constant 0 : i32
        %dma_start3A_145 = tpu.memref_slice %arg7[%dma_start3A_144] : memref<41344xf32, #tpu.memory_space<vmem>> -> memref<20670xf32, #tpu.memory_space<vmem>>
        %dma_start3A_146 = arith.constant 0 : i32
        %dma_start3A_147 = tpu.memref_slice %arg2[%add3A_143, %dma_start3A_146] : memref<1024x20670xf32, #tpu.memory_space<hbm>> -> memref<1x20670xf32, #tpu.memory_space<hbm>>
        %dma_start3A_148 = tpu.memref_squeeze %dma_start3A_147 : memref<1x20670xf32, #tpu.memory_space<hbm>> -> memref<20670xf32, #tpu.memory_space<hbm>>
        %dma_start3A_149 = arith.constant 0 : i32
        %dma_start3A_150 = tpu.memref_slice %arg7[%dma_start3A_149] : memref<41344xf32, #tpu.memory_space<vmem>> -> memref<20670xf32, #tpu.memory_space<vmem>>
        %dma_start3A_151 = arith.constant 0 : i32
        %dma_start3A_152 = tpu.memref_slice %arg2[%add3A_143, %dma_start3A_151] : memref<1024x20670xf32, #tpu.memory_space<hbm>> -> memref<1x20670xf32, #tpu.memory_space<hbm>>
        %dma_start3A_153 = tpu.memref_squeeze %dma_start3A_152 : memref<1x20670xf32, #tpu.memory_space<hbm>> -> memref<20670xf32, #tpu.memory_space<hbm>>
        tpu.enqueue_dma source(%dma_start3A_153 : memref<20670xf32, #tpu.memory_space<hbm>>) target(%dma_start3A_150 : memref<20670xf32, #tpu.memory_space<vmem>>) target_semaphore(%arg13 : memref<!tpu.dma_semaphore, #tpu.memory_space<semaphore_mem>>)
      } else {
      }
      %mul3A_71 = arith.constant 20672 : i32
      %mul3A_72 = arith.muli %and3A_44, %mul3A_71 : i32
      %scan3A_73 = arith.constant 0 : i32
      %scan3A_74 = arith.constant 62 : i32
      %scan3A_75 = arith.addi %scan3A_73, %scan3A_74 : i32
      %scan3A_76 = arith.constant 1 : i32
      %scan3A_77:3 = scf.for %scan3A_141 = %scan3A_73 to %scan3A_75 step %scan3A_76 iter_args(%scan3A_142 = %broadcast_in_dim3A_3, %scan3A_143 = %broadcast_in_dim3A_3, %scan3A_144 = %broadcast_in_dim3A_3) -> (vector<16xf32>, vector<16xf32>, vector<16xf32>)  : i32 {
        %mul3A_145 = arith.constant 16 : i32
        %mul3A_146 = arith.muli %scan3A_141, %mul3A_145 : i32
        %get3A_147 = arith.index_cast %mul3A_146 : i32 to index
        %get3A_148 = tpu.vector_load %arg11[%get3A_147] {strides = array<i32>} : memref<1024xi32, #tpu.memory_space<vmem>>, vector<16xi32>,
        %add3A_149 = vector.broadcast %mul3A_72 : i32 to vector<16xi32>
        %add3A_150 = arith.addi %get3A_148, %add3A_149 : vector<16xi32>
        %gather3A_151 = tpu.vector_load_idx %arg7[%add3A_150] : memref<41344xf32, #tpu.memory_space<vmem>>[vector<16xi32>], vector<16xf32>,
        %add3A_152 = arith.addf %scan3A_142, %gather3A_151 : vector<16xf32>
        %add3A_153 = arith.constant 1 : i32
        %add3A_154 = vector.broadcast %add3A_153 : i32 to vector<16xi32>
        %add3A_155 = arith.addi %add3A_150, %add3A_154 : vector<16xi32>
        %gather3A_156 = tpu.vector_load_idx %arg7[%add3A_155] : memref<41344xf32, #tpu.memory_space<vmem>>[vector<16xi32>], vector<16xf32>,
        %add3A_157 = arith.addf %scan3A_143, %gather3A_156 : vector<16xf32>
        %add3A_158 = arith.constant 2 : i32
        %add3A_159 = vector.broadcast %add3A_158 : i32 to vector<16xi32>
        %add3A_160 = arith.addi %add3A_150, %add3A_159 : vector<16xi32>
        %gather3A_161 = tpu.vector_load_idx %arg7[%add3A_160] : memref<41344xf32, #tpu.memory_space<vmem>>[vector<16xi32>], vector<16xf32>,
        %add3A_162 = arith.addf %scan3A_144, %gather3A_161 : vector<16xf32>
        scf.yield %add3A_152, %add3A_157, %add3A_162 : vector<16xf32>, vector<16xf32>, vector<16xf32>
      }
      %scan3A_78 = arith.constant 62 : i32
      %get3A = arith.constant 992 : index
      %get3A_79 = tpu.vector_load %arg11[%get3A] {strides = array<i32>} : memref<1024xi32, #tpu.memory_space<vmem>>, vector<16xi32>,
      %add3A_80 = vector.broadcast %mul3A_72 : i32 to vector<16xi32>
      %add3A_81 = arith.addi %get3A_79, %add3A_80 : vector<16xi32>
      %lt3A_82 = arith.constant 8 : i32
      %lt3A_83 = vector.broadcast %lt3A_82 : i32 to vector<16xi32>
      %lt3A_84 = arith.cmpi slt, %iota3A, %lt3A_83 : vector<16xi32>
      %gather3A = tpu.vector_load_idx %arg7[%add3A_81] : memref<41344xf32, #tpu.memory_space<vmem>>[vector<16xi32>], vector<16xf32>,
      %jit3A = arith.constant 0.000000e+00 : f32
      %broadcast_in_dim3A_85 = vector.broadcast %jit3A : f32 to vector<16xf32>
      %select_n3A = arith.select %lt3A_84, %gather3A, %broadcast_in_dim3A_85 : vector<16xi1>, vector<16xf32>
      %add3A_86 = arith.addf %scan3A_77#0, %select_n3A : vector<16xf32>
      %add3A_87 = arith.constant 1 : i32
      %add3A_88 = vector.broadcast %add3A_87 : i32 to vector<16xi32>
      %add3A_89 = arith.addi %add3A_81, %add3A_88 : vector<16xi32>
      %gather3A_90 = tpu.vector_load_idx %arg7[%add3A_89] : memref<41344xf32, #tpu.memory_space<vmem>>[vector<16xi32>], vector<16xf32>,
      %jit3A_91 = arith.constant 0.000000e+00 : f32
      %broadcast_in_dim3A_92 = vector.broadcast %jit3A_91 : f32 to vector<16xf32>
      %select_n3A_93 = arith.select %lt3A_84, %gather3A_90, %broadcast_in_dim3A_92 : vector<16xi1>, vector<16xf32>
      %add3A_94 = arith.addf %scan3A_77#1, %select_n3A_93 : vector<16xf32>
      %add3A_95 = arith.constant 2 : i32
      %add3A_96 = vector.broadcast %add3A_95 : i32 to vector<16xi32>
      %add3A_97 = arith.addi %add3A_81, %add3A_96 : vector<16xi32>
      %gather3A_98 = tpu.vector_load_idx %arg7[%add3A_97] : memref<41344xf32, #tpu.memory_space<vmem>>[vector<16xi32>], vector<16xf32>,
      %jit3A_99 = arith.constant 0.000000e+00 : f32
      %broadcast_in_dim3A_100 = vector.broadcast %jit3A_99 : f32 to vector<16xf32>
      %select_n3A_101 = arith.select %lt3A_84, %gather3A_98, %broadcast_in_dim3A_100 : vector<16xi1>, vector<16xf32>
      %add3A_102 = arith.addf %scan3A_77#2, %select_n3A_101 : vector<16xf32>
      %reduce_sum3A = arith.constant true
      %reduce_sum3A_103 = vector.broadcast %reduce_sum3A : i1 to vector<16xi1>
      %reduce_sum3A_104 = tpu.scan <sum>, %add3A_86 masked %reduce_sum3A_103 : vector<16xf32>, vector<16xi1> -> vector<16xf32>
      %reduce_sum3A_105 = vector.extract %reduce_sum3A_104[15] : f32 from vector<16xf32>
      %mul3A_106 = arith.constant 1.000000e-03 : f32
      %mul3A_107 = arith.mulf %reduce_sum3A_105, %mul3A_106 : f32
      %reduce_sum3A_108 = arith.constant true
      %reduce_sum3A_109 = vector.broadcast %reduce_sum3A_108 : i1 to vector<16xi1>
      %reduce_sum3A_110 = tpu.scan <sum>, %add3A_94 masked %reduce_sum3A_109 : vector<16xf32>, vector<16xi1> -> vector<16xf32>
      %reduce_sum3A_111 = vector.extract %reduce_sum3A_110[15] : f32 from vector<16xf32>
      %mul3A_112 = arith.constant 1.000000e-03 : f32
      %mul3A_113 = arith.mulf %reduce_sum3A_111, %mul3A_112 : f32
      %reduce_sum3A_114 = arith.constant true
      %reduce_sum3A_115 = vector.broadcast %reduce_sum3A_114 : i1 to vector<16xi1>
      %reduce_sum3A_116 = tpu.scan <sum>, %add3A_102 masked %reduce_sum3A_115 : vector<16xf32>, vector<16xi1> -> vector<16xf32>
      %reduce_sum3A_117 = vector.extract %reduce_sum3A_116[15] : f32 from vector<16xf32>
      %mul3A_118 = arith.constant 1.000000e-03 : f32
      %mul3A_119 = arith.mulf %reduce_sum3A_117, %mul3A_118 : f32
      %scan3A_120 = arith.constant 0 : i32
      %scan3A_121 = arith.constant 125 : i32
      %scan3A_122 = arith.addi %scan3A_120, %scan3A_121 : i32
      %scan3A_123 = arith.constant 1 : i32
      %scan3A_124 = scf.for %scan3A_141 = %scan3A_120 to %scan3A_122 step %scan3A_123 iter_args(%scan3A_142 = %broadcast_in_dim3A_3) -> (vector<16xf32>)  : i32 {
        %mul3A_143 = arith.constant 16 : i32
        %mul3A_144 = arith.muli %scan3A_141, %mul3A_143 : i32
        %get3A_145 = arith.index_cast %mul3A_144 : i32 to index
        %get3A_146 = tpu.vector_load %arg10[%get3A_145] {strides = array<i32>} : memref<6000xi32, #tpu.memory_space<vmem>>, vector<16xi32>,
        %add3A_147 = vector.broadcast %mul3A_72 : i32 to vector<16xi32>
        %add3A_148 = arith.addi %get3A_146, %add3A_147 : vector<16xi32>
        %mul3A_149 = arith.constant 16 : i32
        %mul3A_150 = arith.muli %scan3A_141, %mul3A_149 : i32
        %add3A_151 = arith.constant 2000 : i32
        %add3A_152 = arith.addi %add3A_151, %mul3A_150 : i32
        %get3A_153 = arith.index_cast %add3A_152 : i32 to index
        %get3A_154 = tpu.vector_load %arg10[%get3A_153] {strides = array<i32>} : memref<6000xi32, #tpu.memory_space<vmem>>, vector<16xi32>,
        %add3A_155 = vector.broadcast %mul3A_72 : i32 to vector<16xi32>
        %add3A_156 = arith.addi %get3A_154, %add3A_155 : vector<16xi32>
        %mul3A_157 = arith.constant 16 : i32
        %mul3A_158 = arith.muli %scan3A_141, %mul3A_157 : i32
        %add3A_159 = arith.constant 4000 : i32
        %add3A_160 = arith.addi %add3A_159, %mul3A_158 : i32
        %get3A_161 = arith.index_cast %add3A_160 : i32 to index
        %get3A_162 = tpu.vector_load %arg10[%get3A_161] {strides = array<i32>} : memref<6000xi32, #tpu.memory_space<vmem>>, vector<16xi32>,
        %add3A_163 = vector.broadcast %mul3A_72 : i32 to vector<16xi32>
        %add3A_164 = arith.addi %get3A_162, %add3A_163 : vector<16xi32>
        %gather3A_165 = tpu.vector_load_idx %arg7[%add3A_148] : memref<41344xf32, #tpu.memory_space<vmem>>[vector<16xi32>], vector<16xf32>,
        %sub3A_166 = vector.broadcast %mul3A_107 : f32 to vector<16xf32>
        %sub3A_167 = arith.subf %gather3A_165, %sub3A_166 : vector<16xf32>
        %add3A_168 = arith.constant 1 : i32
        %add3A_169 = vector.broadcast %add3A_168 : i32 to vector<16xi32>
        %add3A_170 = arith.addi %add3A_148, %add3A_169 : vector<16xi32>
        %gather3A_171 = tpu.vector_load_idx %arg7[%add3A_170] : memref<41344xf32, #tpu.memory_space<vmem>>[vector<16xi32>], vector<16xf32>,
        %sub3A_172 = vector.broadcast %mul3A_113 : f32 to vector<16xf32>
        %sub3A_173 = arith.subf %gather3A_171, %sub3A_172 : vector<16xf32>
        %add3A_174 = arith.constant 2 : i32
        %add3A_175 = vector.broadcast %add3A_174 : i32 to vector<16xi32>
        %add3A_176 = arith.addi %add3A_148, %add3A_175 : vector<16xi32>
        %gather3A_177 = tpu.vector_load_idx %arg7[%add3A_176] : memref<41344xf32, #tpu.memory_space<vmem>>[vector<16xi32>], vector<16xf32>,
        %sub3A_178 = vector.broadcast %mul3A_119 : f32 to vector<16xf32>
        %sub3A_179 = arith.subf %gather3A_177, %sub3A_178 : vector<16xf32>
        %gather3A_180 = tpu.vector_load_idx %arg7[%add3A_156] : memref<41344xf32, #tpu.memory_space<vmem>>[vector<16xi32>], vector<16xf32>,
        %sub3A_181 = vector.broadcast %mul3A_107 : f32 to vector<16xf32>
        %sub3A_182 = arith.subf %gather3A_180, %sub3A_181 : vector<16xf32>
        %add3A_183 = arith.constant 1 : i32
        %add3A_184 = vector.broadcast %add3A_183 : i32 to vector<16xi32>
        %add3A_185 = arith.addi %add3A_156, %add3A_184 : vector<16xi32>
        %gather3A_186 = tpu.vector_load_idx %arg7[%add3A_185] : memref<41344xf32, #tpu.memory_space<vmem>>[vector<16xi32>], vector<16xf32>,
        %sub3A_187 = vector.broadcast %mul3A_113 : f32 to vector<16xf32>
        %sub3A_188 = arith.subf %gather3A_186, %sub3A_187 : vector<16xf32>
        %add3A_189 = arith.constant 2 : i32
        %add3A_190 = vector.broadcast %add3A_189 : i32 to vector<16xi32>
        %add3A_191 = arith.addi %add3A_156, %add3A_190 : vector<16xi32>
        %gather3A_192 = tpu.vector_load_idx %arg7[%add3A_191] : memref<41344xf32, #tpu.memory_space<vmem>>[vector<16xi32>], vector<16xf32>,
        %sub3A_193 = vector.broadcast %mul3A_119 : f32 to vector<16xf32>
        %sub3A_194 = arith.subf %gather3A_192, %sub3A_193 : vector<16xf32>
        %gather3A_195 = tpu.vector_load_idx %arg7[%add3A_164] : memref<41344xf32, #tpu.memory_space<vmem>>[vector<16xi32>], vector<16xf32>,
        %sub3A_196 = vector.broadcast %mul3A_107 : f32 to vector<16xf32>
        %sub3A_197 = arith.subf %gather3A_195, %sub3A_196 : vector<16xf32>
        %add3A_198 = arith.constant 1 : i32
        %add3A_199 = vector.broadcast %add3A_198 : i32 to vector<16xi32>
        %add3A_200 = arith.addi %add3A_164, %add3A_199 : vector<16xi32>
        %gather3A_201 = tpu.vector_load_idx %arg7[%add3A_200] : memref<41344xf32, #tpu.memory_space<vmem>>[vector<16xi32>], vector<16xf32>,
        %sub3A_202 = vector.broadcast %mul3A_113 : f32 to vector<16xf32>
        %sub3A_203 = arith.subf %gather3A_201, %sub3A_202 : vector<16xf32>
        %add3A_204 = arith.constant 2 : i32
        %add3A_205 = vector.broadcast %add3A_204 : i32 to vector<16xi32>
        %add3A_206 = arith.addi %add3A_164, %add3A_205 : vector<16xi32>
        %gather3A_207 = tpu.vector_load_idx %arg7[%add3A_206] : memref<41344xf32, #tpu.memory_space<vmem>>[vector<16xi32>], vector<16xf32>,
        %sub3A_208 = vector.broadcast %mul3A_119 : f32 to vector<16xf32>
        %sub3A_209 = arith.subf %gather3A_207, %sub3A_208 : vector<16xf32>
        %mul3A_210 = arith.mulf %sub3A_188, %sub3A_209 : vector<16xf32>
        %mul3A_211 = arith.mulf %sub3A_194, %sub3A_203 : vector<16xf32>
        %sub3A_212 = arith.subf %mul3A_210, %mul3A_211 : vector<16xf32>
        %mul3A_213 = arith.mulf %sub3A_167, %sub3A_212 : vector<16xf32>
        %mul3A_214 = arith.mulf %sub3A_182, %sub3A_209 : vector<16xf32>
        %mul3A_215 = arith.mulf %sub3A_194, %sub3A_197 : vector<16xf32>
        %sub3A_216 = arith.subf %mul3A_214, %mul3A_215 : vector<16xf32>
        %mul3A_217 = arith.mulf %sub3A_173, %sub3A_216 : vector<16xf32>
        %sub3A_218 = arith.subf %mul3A_213, %mul3A_217 : vector<16xf32>
        %mul3A_219 = arith.mulf %sub3A_182, %sub3A_203 : vector<16xf32>
        %mul3A_220 = arith.mulf %sub3A_188, %sub3A_197 : vector<16xf32>
        %sub3A_221 = arith.subf %mul3A_219, %mul3A_220 : vector<16xf32>
        %mul3A_222 = arith.mulf %sub3A_179, %sub3A_221 : vector<16xf32>
        %add3A_223 = arith.addf %sub3A_218, %mul3A_222 : vector<16xf32>
        %add3A_224 = arith.addf %scan3A_142, %add3A_223 : vector<16xf32>
        scf.yield %add3A_224 : vector<16xf32>
      }
      %scan3A_125 = arith.constant 125 : i32
      %reduce_sum3A_126 = arith.constant true
      %reduce_sum3A_127 = vector.broadcast %reduce_sum3A_126 : i1 to vector<16xi1>
      %reduce_sum3A_128 = tpu.scan <sum>, %scan3A_124 masked %reduce_sum3A_127 : vector<16xf32>, vector<16xi1> -> vector<16xf32>
      %reduce_sum3A_129 = vector.extract %reduce_sum3A_128[15] : f32 from vector<16xf32>
      %abs3A = math.absf %reduce_sum3A_129 : f32
      %mul3A_130 = arith.constant 0.166666672 : f32
      %mul3A_131 = arith.mulf %abs3A, %mul3A_130 : f32
      %eq3A_132 = vector.broadcast %scan3A_41 : i32 to vector<16xi32>
      %eq3A_133 = arith.cmpi eq, %iota3A, %eq3A_132 : vector<16xi32>
      %broadcast_in_dim3A_134 = vector.broadcast %mul3A_131 : f32 to vector<16xf32>
      %select_n3A_135 = arith.select %eq3A_133, %broadcast_in_dim3A_134, %scan3A_42 : vector<16xi1>, vector<16xf32>
      %sub3A = arith.constant 16 : i32
      %sub3A_136 = arith.subi %scan3A_41, %sub3A : i32
      %eq3A_137 = vector.broadcast %sub3A_136 : i32 to vector<16xi32>
      %eq3A_138 = arith.cmpi eq, %iota3A, %eq3A_137 : vector<16xi32>
      %broadcast_in_dim3A_139 = vector.broadcast %mul3A_131 : f32 to vector<16xf32>
      %select_n3A_140 = arith.select %eq3A_138, %broadcast_in_dim3A_139, %scan3A_43 : vector<16xi1>, vector<16xf32>
      scf.yield %select_n3A_135, %select_n3A_140 : vector<16xf32>, vector<16xf32>
    }
    %scan3A_36 = arith.constant 32 : i32
    %swap3A_37 = arith.constant 0 : index
    %swap3A_38 = tpu.vector_load %arg12[%swap3A_37] {strides = array<i32>} : memref<32xf32, #tpu.memory_space<vmem>>, vector<16xf32>,
    tpu.vector_store %arg12[%swap3A_37], %scan3A_35#0 {strides = array<i32>} : memref<32xf32, #tpu.memory_space<vmem>>, vector<16xf32>,
    %swap3A_39 = arith.constant 16 : index
    %swap3A_40 = tpu.vector_load %arg12[%swap3A_39] {strides = array<i32>} : memref<32xf32, #tpu.memory_space<vmem>>, vector<16xf32>,
    tpu.vector_store %arg12[%swap3A_39], %scan3A_35#1 {strides = array<i32>} : memref<32xf32, #tpu.memory_space<vmem>>, vector<16xf32>,
    "tpu.region"() ({
      %run_scoped3A = tpu.sem_alloc : memref<!tpu.dma_semaphore, #tpu.memory_space<semaphore_mem>>
      %dma_start3A_41 = tpu.memref_slice %arg6[%mul3A_2] : memref<1024xf32, #tpu.memory_space<hbm>> -> memref<32xf32, #tpu.memory_space<hbm>>
      %dma_start3A_42 = tpu.memref_slice %arg6[%mul3A_2] : memref<1024xf32, #tpu.memory_space<hbm>> -> memref<32xf32, #tpu.memory_space<hbm>>
      tpu.enqueue_dma source(%arg12 : memref<32xf32, #tpu.memory_space<vmem>>) target(%dma_start3A_42 : memref<32xf32, #tpu.memory_space<hbm>>) target_semaphore(%run_scoped3A : memref<!tpu.dma_semaphore, #tpu.memory_space<semaphore_mem>>)
      %dma_wait3A = tpu.memref_slice %arg6[%mul3A_2] : memref<1024xf32, #tpu.memory_space<hbm>> -> memref<32xf32, #tpu.memory_space<hbm>>
      %dma_wait3A_43 = tpu.memref_slice %arg6[%mul3A_2] : memref<1024xf32, #tpu.memory_space<hbm>> -> memref<32xf32, #tpu.memory_space<hbm>>
      tpu.wait_dma2 semaphore(%run_scoped3A : memref<!tpu.dma_semaphore, #tpu.memory_space<semaphore_mem>>) src(%arg12 : memref<32xf32, #tpu.memory_space<vmem>>) dst(%dma_wait3A_43 : memref<32xf32, #tpu.memory_space<hbm>>)
      tpu.yield
    }) : () -> ()
    return
  }
}

</mosaic_0001>

<sc_bundles>
// kernel: kernel.3.cloned.1.call-start
scs
__scs_entry_jumppad:
0x0: {  	(pc) =	sbr.rel $0x88, $3  }
0x1: {  	(tag) =	ssettag $0x0;
	lr =	simm.s32 $0x1  }
0x2: {  	[smem:$0x3F9D] =	sst lr;
	_ =	strace $0xD0000000  }
0x3: {  	_ = 	snop  }
0x4: {  	_ = 	snop  }
0x5: {  	_ = 	snop  }
0x6: {  	_ = 	snop  }
0x7: {  	_ = 	snop  }
__scs_overlays_trampoline_lowered:
0x8: {  	[smem:$0x3FAC] =	sst s0  }
0x9: {  	[smem:$0x3FAD] =	sst s1  }
0xa: {  	[smem:$0x3FAE] =	sst s2  }
0xb: {  	[smem:$0x3FAF] =	sst s3  }
0xc: {  	[smem:$0x3FB0] =	sst s4  }
0xd: {  	[smem:$0x3FB1] =	sst s5  }
0xe: {  	[smem:$0x3FB2] =	sst s6  }
0xf: {  	[smem:$0x3FB3] =	sst s7  }
0x10: {  	[smem:$0x3FB4] =	sst s8  }
0x11: {  	[smem:$0x3FB5] =	sst s9;
	s0 =	simm.s32 @!p0 $0x0  }
0x12: {  	s1 =	sld [smem:$0x3F9B];
	s0 =	simm.s32 @p0 $0x1  }
0x13: {  	[smem:$0x3FB6] =	sst s0;
	s0 =	simm.s32 @!p1 $0x0  }
0x14: {  	s2 =	sld [smem:$0x3F9A];
	s0 =	simm.s32 @p1 $0x1  }
0x15: {  	[smem:$0x3FB7] =	sst s0;
	s0 =	simm.s32 @!p2 $0x0  }
0x16: {  	s3 =	sld [smem:$0x3FDB];
	s0 =	simm.s32 @p2 $0x1  }
0x17: {  	s4 =	simm.s32 $0x1BF5;
	[smem:$0x3FB9] =	sst s0  }
0x18: {  	s0 =	sld [smem:$0x3F9C];
	_ =	swait.ge [sflag:s4], $0x0  }
0x19: {  	s7 =	sld [smem:$0x3F9D]  }
0x1a: {  	s8 =	sadd.s32 $0xFFFFE003, lr  }
0x1b: {  	s9 =	sadd.s32 $0xFFFFFEF7, lr;
	s5 =	simm.s32 $0xFFFFFFFF;
	p2 =	slt.u32 s8, $0xFFFFF086  }
0x1c: {  	p1 =	slt.u32 s9, $0xF7A;
	s5 =	simm.s32 @!p2 $0x0  }
0x1d: {  	s5 =	simm.s32 @p1 $0x1;
	p0 =	seq.s32 s7, s2  }
0x1e: {  	s7 =	smul.u32 @!p0 $0xF7A, s2;
	p2 =	seq.s32 @!p0 s5, $0x0  }
0x1f: {  	s9 =	smul.u32 $0xF7A, s1;
	s8 =	simm.s32 @!p0 $0x1BF5;
	p2 =	por !p2, p0  }
0x20: {  	[sflag:s8] =	ssyncset.s32 @!p0 $0xFFFFF086;
	s6 =	sadd.s32 @!p0 s3, s7;
	s7 =	simm.s32 @!p0 $0x108  }
0x21: {  	s3 =	sadd.s32 s3, s9;
	s6 =	sadd.s32 @!p0 $0x88, s6;
	s7 =	simm.s32 @p2 $0x1082  }
0x22: {  	[simem:s7], [sflag:s8] =	dma.local @!p0 [hbm:s6], $0xF7A  }
0x23: {  	s9 =	sor.u32 $0xD0000000, s2;
	s6 =	simm.s32 $0x108;
	_ =	swait.ge @!p0 [sflag:s8], $0x0  }
0x24: {  	s3 =	sadd.s32 $0x88, s3;
	s6 =	simm.s32 @!p1 $0x1082;
	[sflag:s4] =	ssyncset.s32 $0xFFFFF086  }
0x25: {  	[simem:s6], [sflag:s4] =	dma.local [hbm:s3], $0xF7A  }
0x26: {  	[smem:$0x3F9D] =	sst s1;
	(tag) =	ssettag s2;
	_ =	strace s9  }
0x27: {  	s1 =	sld [smem:$0x3FAD]  }
0x28: {  	s2 =	sld [smem:$0x3FAE]  }
0x29: {  	s4 =	sld [smem:$0x3FB0]  }
0x2a: {  	p0 =	seq.s32 s5, $0x0;
	s5 =	sld [smem:$0x3FB1]  }
0x2b: {  	s6 =	sld [smem:$0x3FB2]  }
0x2c: {  	s7 =	sld [smem:$0x3FB3]  }
0x2d: {  	s3 =	simm.s32 $0x108;
	s8 =	sld [smem:$0x3FB4]  }
0x2e: {  	s3 =	simm.s32 @!p0 $0x1082;
	s9 =	sld [smem:$0x3FB5]  }
0x2f: {  	lr =	sadd.s32 s0, s3;
	s0 =	sld [smem:$0x3FAC]  }
0x30: {  	s3 =	sld [smem:$0x3FAF]  }
0x31: {  	[smem:$0x3FB8] =	sst s10  }
0x32: {  	s10 =	sld [smem:$0x3FB6];
	_ =	sdelay $0x3  }
0x33: {  	p0 =	seq.s32 s10, $0x1;
	s10 =	sld [smem:$0x3FB8];
	_ =	sdelay $0x3  }
0x34: {  	[smem:$0x3FB8] =	sst s10  }
0x35: {  	s10 =	sld [smem:$0x3FB7];
	_ =	sdelay $0x3  }
0x36: {  	p1 =	seq.s32 s10, $0x1;
	s10 =	sld [smem:$0x3FB8];
	_ =	sdelay $0x3  }
0x37: {  	[smem:$0x3FB8] =	sst s10  }
0x38: {  	s10 =	sld [smem:$0x3FB9]  }
0x39: {  	_ = 	snop;
	(pc) =	sbr.ind lr, $3  }
0x3a: {  	_ = 	snop  }
0x3b: {  	_ = 	snop  }
0x3c: {  	p2 =	seq.s32 s10, $0x1;
	s10 =	sld [smem:$0x3FB8]  }
0x3d: {  	_ =	shalt  }
0x3e: {  	_ =	shalt  }
0x3f: {  	_ =	shalt  }
0x40: {  	_ =	shalt  }
0x41: {  	_ =	shalt  }
0x42: {  	_ =	shalt  }
0x43: {  	_ =	shalt  }
0x44: {  	_ =	shalt  }
0x45: {  	_ =	shalt  }
0x46: {  	_ =	shalt  }
0x47: {  	_ =	shalt  }
0x48: {  	_ =	shalt  }
0x49: {  	_ =	shalt  }
0x4a: {  	_ =	shalt  }
0x4b: {  	_ =	shalt  }
0x4c: {  	_ =	shalt  }
0x4d: {  	_ =	shalt  }
0x4e: {  	_ =	shalt  }
0x4f: {  	_ =	shalt  }
0x50: {  	_ =	shalt  }
0x51: {  	_ =	shalt  }
0x52: {  	_ =	shalt  }
0x53: {  	_ =	shalt  }
0x54: {  	_ =	shalt  }
0x55: {  	_ =	shalt  }
0x56: {  	_ =	shalt  }
0x57: {  	_ =	shalt  }
0x58: {  	_ =	shalt  }
0x59: {  	_ =	shalt  }
0x5a: {  	_ =	shalt  }
0x5b: {  	_ =	shalt  }
0x5c: {  	_ =	shalt  }
0x5d: {  	_ =	shalt  }
0x5e: {  	_ =	shalt  }
0x5f: {  	_ =	shalt  }
0x60: {  	_ =	shalt  }
0x61: {  	_ =	shalt  }
0x62: {  	_ =	shalt  }
0x63: {  	_ =	shalt  }
0x64: {  	_ =	shalt  }
0x65: {  	_ =	shalt  }
0x66: {  	_ =	shalt  }
0x67: {  	_ =	shalt  }
0x68: {  	_ =	shalt  }
0x69: {  	_ =	shalt  }
0x6a: {  	_ =	shalt  }
0x6b: {  	_ =	shalt  }
0x6c: {  	_ =	shalt  }
0x6d: {  	_ =	shalt  }
0x6e: {  	_ =	shalt  }
0x6f: {  	_ =	shalt  }
0x70: {  	_ =	shalt  }
0x71: {  	_ =	shalt  }
0x72: {  	_ =	shalt  }
0x73: {  	_ =	shalt  }
0x74: {  	_ =	shalt  }
0x75: {  	_ =	shalt  }
0x76: {  	_ =	shalt  }
0x77: {  	_ =	shalt  }
0x78: {  	_ =	shalt  }
0x79: {  	_ =	shalt  }
0x7a: {  	_ =	shalt  }
0x7b: {  	_ =	shalt  }
0x7c: {  	_ =	shalt  }
0x7d: {  	_ =	shalt  }
0x7e: {  	_ =	shalt  }
0x7f: {  	_ =	shalt  }
0x80: {  	_ =	shalt  }
0x81: {  	_ =	shalt  }
0x82: {  	_ =	shalt  }
0x83: {  	_ =	shalt  }
0x84: {  	_ =	shalt  }
0x85: {  	_ =	shalt  }
0x86: {  	_ =	shalt  }
0x87: {  	_ =	shalt  }
.Lfunc_end0:
.L_simem_size_0:
called_computation.1_lowered:
.L_overlay_start_0:
0x88: {  	s2 =	sld [smem:$0x3FD9]  }
0x89: {  	s3 =	sld [smem:$0x3FFE];
	_ =	sdelay $0x1  }
0x8a: {  	s1 =	srdreg.scid  }
0x8b: {  	s0 =	sand.u32 $0x1, s1  }
0x8c: {  	s17 =	sshll.u32 s0, $0xA;
	s2 =	sadd.s32 s3, s2  }
0x8d: {  	s2 =	sadd.s32 s2, s17  }
0x8e: {  	[smem:$0x3FC4] =	sst s2  }
0x8f: {  	_ = 	snop  }
0x90: {  	s2 =	sld [smem:$0x3FC7]  }
0x91: {  	s18 =	sld [smem:$0x3FC6]  }
0x92: {  	s4 =	sld [smem:$0x3FD0];
	(tm) =	ssettm $0x1  }
0x93: {  	s5 =	sld [smem:$0x3FFB];
	_ =	sdelay $0x3  }
0x94: {  	_ =	strace s5  }
0x95: {  	s5 =	sld [smem:$0x3FFC];
	_ =	sdelay $0x3  }
0x96: {  	_ =	strace s5  }
0x97: {  	s5 =	sld [smem:$0x3FFD];
	_ =	sdelay $0x3  }
0x98: {  	_ =	strace s5  }
0x99: {  	_ =	strace $0x8FFFFFFF  }
0x9a: {  	s19 =	sld [smem:$0x3FDB];
	_ =	sdelay $0x1  }
0x9b: {  	s6 =	simm.s32 $_scs_section_size  }
0x9c: {  	s7 =	simm.s32 $_size__tile_overlayer_lowered;
	s8 =	simm.s32 $_tile_overlayer_lowered  }
0x9d: {  	s22 =	simm.s32 $0x1BFF;
	s21 =	sshll.u32 s8, $0x1;
	s5 =	sadd.s32 s6, s19  }
0x9e: {  	s9 =	simm.s32 $0x0;
	s20 =	sshll.u32 s7, $0x1;
	s7 =	sadd.s32 s21, s5  }
0x9f: {  	[timem:s9], [sflag:s22] =	dma.local [hbm:s7], s20  }
0xa0: {  	_ =	swait.ge [sflag:s22], s20  }
0xa1: {  	s6 =	ssub.s32 $0x0, s20;
	[sflag:s22] =	ssyncset.done $0x0  }
0xa2: {  	[sflag:s22] =	ssyncadd.s32 s6;
	_ =	sdelay $0x1  }
0xa3: {  	s23 =	simm.s32 $0x1B8B  }
0xa4: {  	_ =	swait.ge [sflag:s23], $0x1  }
0xa5: {  	[sflag:s23] =	ssyncset.done $0x0  }
0xa6: {  	s25 =	simm.s32 $0x1B8E;
	s24 =	sld [smem:$0x3FFE];
	[sflag:s23] =	ssyncadd.s32 $0xFFFFFFFF  }
0xa7: {  	s26 =	simm.s32 $execute0_lowered;
	[smem:$0x3FD2] =	sst s25  }
0xa8: {  	s7 =	sshll.u32 s26, $0x1;
	_ =	strace $0x80000049;
	[dreg:$0x1] =	wrdreg $0xFFFFFFFF  }
0xa9: {  	s28 =	simm.s32 $_size_execute0_lowered;
	s5 =	sadd.s32 s5, s7;
	[dreg:$0x0] =	wrdreg $0x0  }
0xaa: {  	s7 =	sshll.u32 s28, $0x1;
	[dreg:$0x2] =	wrdreg s5  }
0xab: {  	[dreg:$0x3] =	wrdreg s7  }
0xac: {  	[dreg:$0x4] =	wrdreg $0xC0  }
0xad: {  	_ =	task [dreg:s9], $0x5FFFF  }
0xae: {  	[dreg:$0x1] =	wrdreg $0xFFFFFFFF  }
0xaf: {  	[dreg:$0x0] =	wrdreg $0x60  }
0xb0: {  	[dreg:$0x2] =	wrdreg s24  }
0xb1: {  	[dreg:$0x3] =	wrdreg s2  }
0xb2: {  	[dreg:$0x4] =	wrdreg s18  }
0xb3: {  	[dreg:$0x5] =	wrdreg s4  }
0xb4: {  	[dreg:$0x6] =	wrdreg $0x9  }
0xb5: {  	_ =	task.clear_ibuf [dreg:s9], $0x7FFFF;
	_ =	strace $0x90000049  }
0xb6: {  	s29 =	simm.s32 $0x9;
	_ =	strace $0x8000004B  }
0xb7: {  	_ =	swait.ge [sflag:s29], $0x1  }
0xb8: {  	[sflag:s29] =	ssyncadd.s32 $0xFFFFFFFF  }
0xb9: {  	_ =	strace $0x9000004B  }
0xba: {  	_ =	sfence  }
0xbb: {  	s30 =	sld [smem:$0x0];
	_ =	sdelay $0x2  }
0xbc: {  	s31 =	sshll.u32 s1, $0xD;
	s1 =	sshrl.u32 s1, $0x2  }
0xbd: {  	s3 =	sand.u32 $0x4000, s31;
	s1 =	sadd.s32 s1, s30  }
0xbe: {  	s0 =	sor.u32 s3, s0;
	s1 =	sshll.u32 s1, $0x11  }
0xbf: {  	s0 =	sor.u32 s1, s0  }
0xc0: {  	s0 =	sadd.s32 $0x8F2B, s0  }
0xc1: {  	[sflag:s0] =	ssyncadd.remote.s32 $0x1  }
0xc2: {  	_ =	sfence.sel $0xFFFF  }
0xc3: {  	[dreg:$0x0] =	wrdreg $0xFFFFFFFF;
	(pc) =	sbr.abs _section_cstart, $3  }
0xc4: {  	[dreg:$0x1] =	wrdreg $0xFFFFFFFF  }
0xc5: {  	_ =	task.clear_ibuf [dreg:s9], $0x2FFFF;
	_ =	strace $0x9FFFFFFF  }
0xc6: {  	(tm) =	ssettm $0x7FFFFFFF  }
0xc7: {  	_ =	shalt  }
tec
execute0_lowered:
.L_overlay_start_1:
0x0: {  	(tag) =	ssettag $0x1  }
0x1: {  	s7 =	rddreg [dreg:$0x0]  }
0x2: {  	s1 =	rddreg [dreg:$0x1]  }
0x3: {  	s2 =	rddreg [dreg:$0x2]  }
0x4: {  	s9 =	rddreg [dreg:$0x3]  }
0x5: {  	s0 =	rddreg [dreg:$0x4];
	s5 =	srdreg.scid  }
0x6: {  	s4 =	simm.s32 $0x0;
	s3 =	stileid.u32;
	s13 =	simm.s32 $0x142F0  }
0x7: {  	s14 =	simm.s32 $0x16230;
	s15 =	simm.s32 $0x16630;
	s16 =	simm.s32 $0x0  }
0x8: {  	s5 =	sand.u32 $0x1, s5;
	[smem:$0x7FF] =	sst s4;
	s6 =	sshll.u32 s3, $0x6  }
0x9: {  	s8 =	sshll.u32 s5, $0x5;
	_ =	strace $0x8000004A;
	s10 =	ssub.s32 $0x2, s5  }
0xa: {  	s5 =	sor.u32 s8, s6;
	s6 =	sadd.s32 $0xA00, s7;
	s31 =	sshrl.u32 s10, $0x1  }
0xb: {  	s11 =	smul.u32 $0xA18, s5;
	s10 =	ssub.s32 s10, s31;
	s12 =	sshrl.u32 s5, $0x3  }
0xc: {  	s7 =	sadd.s32 $0x288A00, s7;
	s9 =	sadd.s32 s9, s12;
	s10 =	smax.u32 s10, $0x1  }
0xd: {  	v0 =	vimm.s32 $0x0;
	vm0 =	vmmov $0xff;
	v1 =	vlaneseq.u32;
	s12 =	simm.s32 $0x3;
	s8 =	sadd.s32 s6, s11;
	s11 =	simm.s32 $0xA180  }
.LBB2_1:
0xe: {  	[tilespmem:s4], [sflag:$0x1] =	stream.linear.gather [hbm4b:s8+s4], $0x50BE, $0x38;
	[tilespmem:$0x16650] =	vst v63  }
0xf: {  	_ = 	snop  }
0x10: {  	[tilespmem:s11], [sflag:$0x3] =	stream.linear.gather [hbm4b:s7+s4], $0xA170, $0x38;
	[tilespmem:$0x16650] =	vst v63  }
0x11: {  	_ =	swait.ge [sflag:s12], $0xA170  }
0x12: {  	[sflag:s12] =	ssyncset.done $0x0  }
0x13: {  	[sflag:s12] =	ssyncadd.s32 $0xFFFF5E90  }
0x14: {  	[tilespmem:s13], [sflag:$0x3] =	stream.linear.gather [hbm4b:s2+s4], $0x7D0, $0x38;
	[tilespmem:$0x16650] =	vst v63  }
0x15: {  	_ =	swait.ge [sflag:s12], $0x7D0  }
0x16: {  	[sflag:s12] =	ssyncset.done $0x0  }
0x17: {  	[sflag:s12] =	ssyncadd.s32 $0xFFFFF830  }
0x18: {  	[tilespmem:s14], [sflag:$0x3] =	stream.linear.gather [hbm4b:s1+s4], $0x3E8, $0x38;
	[tilespmem:$0x16650] =	vst v63  }
0x19: {  	_ =	swait.ge [sflag:s12], $0x3E8  }
0x1a: {  	[sflag:s12] =	ssyncset.done $0x0  }
0x1b: {  	[sflag:s12] =	ssyncadd.s32 $0xFFFFFC18  }
0x1c: {  	[tilespmem:$0x16618] =	vst v0  }
0x1d: {  	s17 =	simm.s32 $0x0;
	s18 =	simm.s32 $0x40;
	[tilespmem:$0x16620] =	vst v0  }
.LBB2_2:
0x1e: {  	p0 =	sne.s32 s18, $0xFC0;
	v2 =	vld [tilespmem:s17+$0x16230];
	_ =	sdelay $0x2  }
.Ltmp0:
0x1f: {  	(pc) =	sbr.rel @p0 .LBB2_2-.Ltmp0, $3  }
0x20: {  	_ = 	snop  }
0x21: {  	v2 =	vmul.u32 $0x3, v2;
	_ =	sdelay $0x1  }
0x22: {  	[tilespmem:s17+$0x16230] =	vst v2;
	s17 =	sshra.s32 s18, $0x2;
	s18 =	sadd.s32 $0x40, s18  }
0x23: {  	v2 =	vld [tilespmem:s17+$0x16230];
	_ =	sdelay $0x4  }
0x24: {  	v2 =	vmul.u32 $0x3, v2;
	_ =	sdelay $0x1  }
0x25: {  	s19 =	simm.s32 $0x0;
	[tilespmem:s17+$0x16230] =	vst v2  }
0x26: {  	v2 =	vld [tilespmem:s19+$0x142F0];
	_ =	sdelay $0x4  }
0x27: {  	v2 =	vmul.u32 $0x3, v2;
	_ =	sdelay $0x4  }
0x28: {  	v3 =	vadd.s32 $0x1, v2  }
0x29: {  	v7 =	vld.idx.msk [tilespmem:v2+s11+$0x0], $0xffff;
	v2 =	vadd.s32 $0x2, v2  }
0x2a: {  	s18 =	simm.s32 $0x10  }
0x2b: {  	v4 =	vld [tilespmem:s18+$0x142F0];
	_ =	sdelay $0x1  }
0x2c: {  	v9 =	vld.idx.msk [tilespmem:v3+s11+$0x0], $0xffff  }
0x2d: {  	v6 =	vld.idx.msk [tilespmem:v2+s11+$0x0], $0xffff;
	_ =	sdelay $0x1  }
0x2e: {  	v3 =	vmul.u32 $0x3, v4  }
0x2f: {  	v8 =	vmul.u32 $0x3, v7  }
0x30: {  	s20 =	simm.s32 $0x80;
	s17 =	simm.s32 $0x0;
	v4 =	vadd.s32 $0x1, v3;
	v5 =	vadd.s32 $0x2, v3;
	v7 =	vmul.u32 $0x3, v9  }
.LBB2_4:
0x31: {  	p0 =	sne.s32 s20, $0x1F00;
	[tilespmem:s19+$0x14AC0] =	vst v8;
	v6 =	vmul.u32 $0x3, v6;
	v2 =	vimm.f32 $0.0e+00;
	s21 =	smov.u32 s20;
	s20 =	sadd.s32 $0x40, s20  }
0x32: {  	s21 =	sshra.s32 s21, $0x2;
	[tilespmem:s19+$0x15290] =	vst v7  }
0x33: {  	v7 =	vld [tilespmem:s21+$0x142F0];
	[tilespmem:s19+$0x15A60] =	vst v6;
	s19 =	smov.u32 s18;
	s18 =	smov.u32 s21  }
0x34: {  	v8 =	vld.idx.msk [tilespmem:v3+s11+$0x0], $0xffff  }
0x35: {  	v9 =	vld.idx.msk [tilespmem:v4+s11+$0x0], $0xffff  }
0x36: {  	v6 =	vld.idx.msk [tilespmem:v5+s11+$0x0], $0xffff  }
.Ltmp1:
0x37: {  	(pc) =	sbr.rel @p0 .LBB2_4-.Ltmp1, $3  }
0x38: {  	v3 =	vmul.u32 $0x3, v7;
	_ =	sdelay $0x1  }
0x39: {  	v8 =	vmul.u32 $0x3, v8;
	v4 =	vadd.s32 $0x1, v3;
	v5 =	vadd.s32 $0x2, v3  }
0x3a: {  	v7 =	vmul.u32 $0x3, v9  }
0x3b: {  	_ = 	snop  }
0x3c: {  	[tilespmem:s19+$0x14AC0] =	vst v8;
	v6 =	vmul.u32 $0x3, v6  }
0x3d: {  	[tilespmem:s19+$0x15290] =	vst v7  }
0x3e: {  	[tilespmem:s19+$0x15A60] =	vst v6  }
0x3f: {  	v3 =	vld.idx.msk [tilespmem:v3+s11+$0x0], $0xffff  }
0x40: {  	v4 =	vld.idx.msk [tilespmem:v4+s11+$0x0], $0xffff  }
0x41: {  	v5 =	vld.idx.msk [tilespmem:v5+s11+$0x0], $0xffff;
	_ =	sdelay $0x2  }
0x42: {  	v3 =	vmul.u32 $0x3, v3  }
0x43: {  	v4 =	vmul.u32 $0x3, v4  }
0x44: {  	[tilespmem:s18+$0x14AC0] =	vst v3;
	v3 =	vmul.u32 $0x3, v5  }
0x45: {  	[tilespmem:s18+$0x15290] =	vst v4  }
0x46: {  	v4 =	vimm.f32 $0.0e+00;
	[tilespmem:s18+$0x15A60] =	vst v3;
	v3 =	vimm.f32 $0.0e+00  }
.LBB2_6:
0x47: {  	s18 =	sand.u32 $0x1, s17  }
0x48: {  	p1 =	seq.s32 s18, $0x1  }
0x49: {  	p0 =	sne.s32 s18, $0x0;
	s19 =	simm.s32 @!p1 $0x1  }
0x4a: {  	s20 =	sadd.s32 @!p0 s5, s17;
	_ =	swait.ge @!p1 [sflag:s19], $0x50BE  }
0x4b: {  	p2 =	seq.s32 s18, $0x0;
	s20 =	smul.u32 @!p0 $0x50C0, s20;
	[sflag:s19] =	ssyncset.done @!p1 $0x0  }
0x4c: {  	p3 =	seq.s32 s17, $0x1F;
	[sflag:s19] =	ssyncadd.s32 @!p1 $0xFFFFAF42;
	s19 =	simm.s32 @!p2 $0x2  }
0x4d: {  	s20 =	sshrl.u32 @!p0 s20, $0x3;
	p1 =	por !p1, !p1;
	_ =	swait.ge @!p2 [sflag:s19], $0x50BE  }
0x4e: {  	p1 =	por p3, p1;
	s20 =	sadd.s32 @!p0 s6, s20;
	[sflag:s19] =	ssyncset.done @!p2 $0x0  }
0x4f: {  	[sflag:s19] =	ssyncadd.s32 @!p2 $0xFFFFAF42;
	s19 =	sadd.s32 @!p0 $0xA18, s20;
	s20 =	sadd.s32 @!p1 s5, s17  }
0x50: {  	s21 =	simm.s32 @!p0 $0x0;
	s22 =	simm.s32 @!p0 $0x50C0;
	s20 =	smul.u32 @!p1 $0x50C0, s20  }
0x51: {  	[tilespmem:s22], [sflag:$0x2] =	stream.linear.gather @!p0 [hbm4b:s19+s21], $0x50BE, $0x38;
	[tilespmem:$0x16650] =	vst v63  }
0x52: {  	s19 =	sshrl.u32 @!p1 s20, $0x3  }
0x53: {  	s19 =	sadd.s32 @!p1 s6, s19  }
0x54: {  	s29 =	simm.s32 $0x0;
	s20 =	simm.s32 @!p1 $0x0;
	s19 =	sadd.s32 @!p1 $0xA18, s19  }
0x55: {  	[tilespmem:s20], [sflag:$0x1] =	stream.linear.gather @!p1 [hbm4b:s19+s20], $0x50BE, $0x38;
	[tilespmem:$0x16650] =	vst v63  }
0x56: {  	v6 =	vld [tilespmem:s29+$0x16230];
	_ =	sdelay $0x1  }
0x57: {  	s18 =	smul.u32 $0x50C0, s18;
	_ =	sdelay $0x1  }
0x58: {  	s30 =	simm.s32 $0x10;
	v5 =	vmov s18  }
0x59: {  	v7 =	vld [tilespmem:s30+$0x16230];
	v6 =	vadd.s32 v5, v6  }
0x5a: {  	v8 =	vadd.s32 $0x2, v6;
	_ =	sdelay $0x1  }
0x5b: {  	s31 =	simm.s32 $0x20;
	v9 =	vadd.s32 $0x1, v6  }
0x5c: {  	v14 =	vld [tilespmem:s31+$0x16230]  }
0x5d: {  	v11 =	vadd.s32 v5, v7;
	v10 =	vld.idx.msk [tilespmem:v6+s4+$0x0], $0xffff  }
0x5e: {  	v13 =	vadd.s32 $0x2, v11;
	v6 =	vld.idx.msk [tilespmem:v8+s4+$0x0], $0xffff;
	_ =	sdelay $0x1  }
0x5f: {  	v12 =	vadd.s32 $0x1, v11;
	v7 =	vld.idx.msk [tilespmem:v9+s4+$0x0], $0xffff;
	_ =	sdelay $0x1  }
0x60: {  	s18 =	sadd.s32 $0x1, s17;
	s19 =	simm.s32 $0xC0;
	v9 =	vld.idx.msk [tilespmem:v11+s4+$0x0], $0xffff;
	v11 =	vimm.f32 $0.0e+00;
	v8 =	vadd.f32 v10, v2;
	v10 =	vimm.f32 $0.0e+00  }
.LBB2_7:
0x61: {  	s20 =	sshra.s32 s19, $0x2;
	p0 =	sne.s32 s19, $0xF40;
	s19 =	sadd.s32 $0x40, s19;
	v15 =	vadd.s32 v5, v14;
	v10 =	vadd.f32 v6, v10;
	v6 =	vld.idx.msk [tilespmem:v13+s4+$0x0], $0xffff  }
.Ltmp2:
0x62: {  	v14 =	vld [tilespmem:s20+$0x16230];
	v16 =	vadd.s32 $0x1, v15;
	v13 =	vadd.s32 $0x2, v15;
	(pc) =	sbr.rel @p0 .LBB2_7-.Ltmp2, $2  }
0x63: {  	v11 =	vadd.f32 v7, v11;
	v7 =	vld.idx.msk [tilespmem:v12+s4+$0x0], $0xffff;
	v12 =	vmov v16;
	_ =	sdelay $0x2  }
0x64: {  	v8 =	vadd.f32 v9, v8;
	v9 =	vld.idx.msk [tilespmem:v15+s4+$0x0], $0xffff  }
0x65: {  	v15 =	vld [tilespmem:$0x16610];
	_ =	sdelay $0x1  }
0x66: {  	v14 =	vadd.s32 v5, v14  }
0x67: {  	v16 =	vadd.s32 $0x2, v14  }
0x68: {  	v17 =	vadd.s32 $0x1, v14  }
0x69: {  	v13 =	vld.idx.msk [tilespmem:v13+s4+$0x0], $0xffff;
	v15 =	vadd.s32 v5, v15  }
0x6a: {  	v12 =	vld.idx.msk [tilespmem:v12+s4+$0x0], $0xffff;
	v18 =	vadd.s32 $0x1, v15  }
0x6b: {  	v14 =	vld.idx.msk [tilespmem:v14+s4+$0x0], $0xffff;
	v19 =	vadd.s32 $0x2, v15  }
0x6c: {  	v16 =	vld.idx.msk [tilespmem:v16+s4+$0x0], $0xffff  }
0x6d: {  	s19 =	simm.s32 $0x0;
	v17 =	vld.idx.msk [tilespmem:v17+s4+$0x0], $0xffff  }
0x6e: {  	v15 =	vld.idx.msk [tilespmem:v15+s19+$0x0], $0xffff  }
0x6f: {  	v7 =	vadd.f32 v7, v11;
	v11 =	vld.idx.msk [tilespmem:v18+s19+$0x0], $0xffff  }
0x70: {  	v6 =	vadd.f32 v6, v10;
	v8 =	vadd.f32 v9, v8;
	v9 =	vld.idx.msk [tilespmem:v19+s19+$0x0], $0xffff  }
0x71: {  	v7 =	vadd.f32 v12, v7  }
0x72: {  	v6 =	vadd.f32 v13, v6;
	v8 =	vadd.f32 v14, v8  }
0x73: {  	v7 =	vadd.f32 v17, v7;
	v10 =	vnsel vm0, $0x0, v15  }
0x74: {  	v6 =	vadd.f32 v16, v6;
	v8 =	vadd.f32 v10, v8;
	v10 =	vnsel vm0, $0x0, v11  }
0x75: {  	v9 =	vnsel vm0, $0x0, v9;
	v7 =	vadd.f32 v10, v7  }
0x76: {  	v6 =	vadd.f32 v9, v6;
	(xrf2) =	vadd.scan.msk.f32 $0xffff, v8  }
0x77: {  	(xrf2) =	vadd.scan.msk.f32 $0xffff, v7  }
0x78: {  	(xrf2) =	vadd.scan.msk.f32 $0xffff, v6;
	_ =	sdelay $0x7  }
0x79: {  	v6, _, _ =	vpop (xrf2)  }
0x7a: {  	v7, _, _ =	vpop (xrf2);
	(v2sf) =	vpush v6, $0xF  }
0x7b: {  	s28 =	simm.s32 $0x0;
	(v2sf) =	vpush v7, $0xF;
	v6, _, _ =	vpop (xrf2)  }
0x7c: {  	v7 =	vld [tilespmem:s28+$0x15A60];
	(v2sf) =	vpush v6, $0xF  }
0x7d: {  	v6 =	vld [tilespmem:s28+$0x15290];
	_ =	sdelay $0x4  }
0x7e: {  	s29 =	simm.s32 $0x10;
	v7 =	vadd.s32 v5, v7;
	v6 =	vadd.s32 v5, v6  }
0x7f: {  	v13 =	vld [tilespmem:s29+$0x15A60];
	v12 =	vadd.s32 $0x1, v7  }
0x80: {  	v9 =	vld [tilespmem:s28+$0x14AC0];
	v8 =	vadd.s32 $0x1, v6  }
0x81: {  	v17 =	vld [tilespmem:s29+$0x14AC0];
	v10 =	vadd.s32 $0x2, v6  }
0x82: {  	v11 =	vld [tilespmem:s29+$0x15290];
	v14 =	vadd.s32 $0x2, v7  }
0x83: {  	v15 =	vld.idx.msk [tilespmem:v6+s4+$0x0], $0xffff  }
0x84: {  	v12 =	vld.idx.msk [tilespmem:v12+s4+$0x0], $0xffff  }
0x85: {  	v6 =	vadd.s32 v5, v9;
	v16 =	vld.idx.msk [tilespmem:v8+s4+$0x0], $0xffff;
	s20 =	spop (v2sf)  }
0x86: {  	v9 =	vld.idx.msk [tilespmem:v10+s4+$0x0], $0xffff;
	v10 =	vadd.s32 $0x1, v6;
	s21 =	spop (v2sf)  }
0x87: {  	v14 =	vld.idx.msk [tilespmem:v14+s4+$0x0], $0xffff;
	s30 =	smul.f32 $1.000000050e-03, s21;
	s31 =	spop (v2sf)  }
0x88: {  	v22 =	vadd.s32 v5, v13;
	s19 =	simm.s32 $0x20;
	v19 =	vld.idx.msk [tilespmem:v7+s4+$0x0], $0xffff;
	v18 =	vadd.s32 $0x2, v6;
	s21 =	smul.f32 $1.000000050e-03, s31  }
0x89: {  	v27 =	vadd.s32 $0x1, v22;
	v13 =	vld [tilespmem:s19+$0x15A60];
	v20 =	vadd.s32 v5, v11  }
0x8a: {  	v23 =	vadd.s32 $0x1, v20;
	s20 =	smul.f32 $1.000000050e-03, s20;
	v21 =	vld.idx.msk [tilespmem:v6+s4+$0x0], $0xffff;
	v8 =	vmov s30;
	v6 =	vmov s21  }
0x8b: {  	v24 =	vld.idx.msk [tilespmem:v10+s4+$0x0], $0xffff;
	v25 =	vsub.f32 v16, v8;
	v16 =	vadd.s32 $0x2, v20;
	v12 =	vsub.f32 v12, v8  }
0x8c: {  	v11 =	vld [tilespmem:s19+$0x15290];
	v7 =	vmov s20;
	v26 =	vsub.f32 v9, v6;
	v28 =	vsub.f32 v14, v6  }
0x8d: {  	v30 =	vadd.s32 $0x2, v22;
	v18 =	vld.idx.msk [tilespmem:v18+s4+$0x0], $0xffff;
	v29 =	vsub.f32 v15, v7;
	v19 =	vsub.f32 v19, v7  }
0x8e: {  	v17 =	vadd.s32 v5, v17;
	v10 =	vld.idx.msk [tilespmem:v20+s4+$0x0], $0xffff;
	v20 =	vmul.f32 v28, v25;
	v31 =	vmul.f32 v12, v26  }
0x8f: {  	v14 =	vld.idx.msk [tilespmem:v23+s4+$0x0], $0xffff;
	v63 =	vsub.f32 v21, v7;
	v23 =	vmul.f32 v28, v29;
	v26 =	vmul.f32 v19, v26  }
0x90: {  	v24 =	vsub.f32 v24, v8;
	v29 =	vmul.f32 v12, v29;
	v25 =	vmul.f32 v19, v25;
	v15 =	vld.idx.msk [tilespmem:v16+s4+$0x0], $0xffff  }
0x91: {  	v16 =	vld.idx.msk [tilespmem:v27+s4+$0x0], $0xffff;
	v27 =	vsub.f32 v20, v31;
	v23 =	vsub.f32 v23, v26;
	v20 =	vadd.s32 $0x1, v17  }
0x92: {  	v9 =	vimm.f32 $0.0e+00;
	v12 =	vadd.s32 $0x2, v17;
	v19 =	vld.idx.msk [tilespmem:v30+s4+$0x0], $0xffff;
	v21 =	vsub.f32 v18, v6  }
0x93: {  	s20 =	simm.s32 $0xC0;
	v18 =	vld.idx.msk [tilespmem:v22+s4+$0x0], $0xffff;
	v22 =	vmul.f32 v27, v63;
	v24 =	vmul.f32 v23, v24;
	v23 =	vsub.f32 v29, v25  }
.LBB2_9:
0x94: {  	p0 =	sne.s32 s20, $0x1F00;
	v25 =	vld [tilespmem:s19+$0x14AC0];
	v26 =	vadd.s32 v5, v11  }
0x95: {  	v27 =	vadd.s32 v5, v13;
	v28 =	vld.idx.msk [tilespmem:v17+s4+$0x0], $0xffff;
	v13 =	vsub.f32 v22, v24;
	v17 =	vmul.f32 v23, v21  }
0x96: {  	s19 =	sshra.s32 s20, $0x2;
	v21 =	vadd.s32 $0x1, v26;
	v23 =	vsub.f32 v10, v7;
	v24 =	vsub.f32 v14, v8;
	v22 =	vld.idx.msk [tilespmem:v20+s4+$0x0], $0xffff  }
0x97: {  	v29 =	vadd.s32 $0x2, v26;
	v15 =	vsub.f32 v15, v6;
	v11 =	vld [tilespmem:s19+$0x15290];
	v10 =	vadd.f32 v13, v17  }
0x98: {  	v30 =	vadd.s32 $0x1, v27;
	v31 =	vld.idx.msk [tilespmem:v12+s4+$0x0], $0xffff;
	v12 =	vsub.f32 v16, v8;
	v16 =	vsub.f32 v19, v6  }
0x99: {  	v19 =	vadd.s32 $0x2, v27;
	v18 =	vsub.f32 v18, v7;
	v13 =	vld [tilespmem:s19+$0x15A60];
	v9 =	vadd.f32 v10, v9  }
0x9a: {  	v17 =	vadd.s32 v5, v25;
	v10 =	vld.idx.msk [tilespmem:v26+s4+$0x0], $0xffff;
	v25 =	vmul.f32 v16, v24;
	v26 =	vmul.f32 v12, v15  }
.Ltmp3:
0x9b: {  	v20 =	vadd.s32 $0x1, v17;
	v32 =	vmul.f32 v18, v15;
	v14 =	vld.idx.msk [tilespmem:v21+s4+$0x0], $0xffff;
	v21 =	vmul.f32 v16, v23;
	(pc) =	sbr.rel @p0 .LBB2_9-.Ltmp3, $4  }
0x9c: {  	v28 =	vsub.f32 v28, v7;
	v23 =	vmul.f32 v12, v23;
	v15 =	vld.idx.msk [tilespmem:v29+s4+$0x0], $0xffff;
	v29 =	vsub.f32 v22, v8  }
0x9d: {  	v22 =	vsub.f32 v25, v26;
	v26 =	vmul.f32 v18, v24;
	v16 =	vld.idx.msk [tilespmem:v30+s4+$0x0], $0xffff;
	v25 =	vsub.f32 v21, v32  }
0x9e: {  	v12 =	vadd.s32 $0x2, v17;
	v21 =	vsub.f32 v31, v6;
	v19 =	vld.idx.msk [tilespmem:v19+s4+$0x0], $0xffff  }
0x9f: {  	s20 =	sadd.s32 $0x40, s20;
	v22 =	vmul.f32 v22, v28;
	v23 =	vsub.f32 v23, v26;
	v18 =	vld.idx.msk [tilespmem:v27+s4+$0x0], $0xffff;
	v24 =	vmul.f32 v25, v29  }
0xa0: {  	_ = 	snop  }
0xa1: {  	v11 =	vadd.s32 v5, v11  }
0xa2: {  	v25 =	vadd.s32 $0x1, v11  }
0xa3: {  	v26 =	vld [tilespmem:s19+$0x14AC0];
	v13 =	vadd.s32 v5, v13;
	v27 =	vadd.s32 $0x2, v11  }
0xa4: {  	v17 =	vld.idx.msk [tilespmem:v17+s4+$0x0], $0xffff;
	v28 =	vadd.s32 $0x1, v13  }
0xa5: {  	v20 =	vld.idx.msk [tilespmem:v20+s4+$0x0], $0xffff;
	v29 =	vadd.s32 $0x2, v13  }
0xa6: {  	v14 =	vsub.f32 v14, v8;
	v10 =	vsub.f32 v10, v7;
	v11 =	vld.idx.msk [tilespmem:v11+s4+$0x0], $0xffff  }
0xa7: {  	v22 =	vsub.f32 v22, v24;
	v21 =	vmul.f32 v23, v21;
	v15 =	vsub.f32 v15, v6;
	v44 =	vld.idx.msk [tilespmem:v25+s4+$0x0], $0xffff  }
0xa8: {  	v16 =	vsub.f32 v16, v8;
	v19 =	vsub.f32 v19, v6;
	v45 =	vld.idx.msk [tilespmem:v27+s4+$0x0], $0xffff  }
0xa9: {  	v21 =	vadd.f32 v22, v21;
	v18 =	vsub.f32 v18, v7;
	v5 =	vadd.s32 v5, v26;
	v47 =	vld.idx.msk [tilespmem:v28+s4+$0x0], $0xffff  }
0xaa: {  	v49 =	vmul.f32 v16, v15;
	v48 =	vmul.f32 v19, v14;
	v46 =	vadd.s32 $0x1, v5;
	v50 =	vld.idx.msk [tilespmem:v29+s4+$0x0], $0xffff  }
0xab: {  	v19 =	vmul.f32 v19, v10;
	v13 =	vld.idx.msk [tilespmem:v13+s4+$0x0], $0xffff;
	v15 =	vmul.f32 v18, v15;
	v51 =	vadd.s32 $0x2, v5  }
0xac: {  	v12 =	vld.idx.msk [tilespmem:v12+s4+$0x0], $0xffff;
	v17 =	vsub.f32 v17, v7;
	v52 =	vsub.f32 v20, v8  }
0xad: {  	v10 =	vmul.f32 v16, v10;
	v22 =	vsub.f32 v48, v49;
	v15 =	vsub.f32 v19, v15  }
0xae: {  	v14 =	vmul.f32 v18, v14;
	v5 =	vld.idx.msk [tilespmem:v5+s4+$0x0], $0xffff;
	v54 =	vsub.f32 v44, v8;
	v55 =	vsub.f32 v45, v6  }
0xaf: {  	v17 =	vmul.f32 v22, v17;
	v53 =	vld.idx.msk [tilespmem:v46+s4+$0x0], $0xffff;
	v56 =	vsub.f32 v47, v8;
	v57 =	vsub.f32 v50, v6  }
0xb0: {  	v15 =	vmul.f32 v15, v52;
	v11 =	vsub.f32 v11, v7;
	v13 =	vsub.f32 v13, v7;
	v58 =	vld.idx.msk [tilespmem:v51+s4+$0x0], $0xffff  }
0xb1: {  	v12 =	vsub.f32 v12, v6;
	v59 =	vmul.f32 v57, v54;
	v60 =	vmul.f32 v56, v55  }
0xb2: {  	v10 =	vsub.f32 v10, v14;
	v61 =	vmul.f32 v57, v11;
	v20 =	vmul.f32 v13, v55  }
0xb3: {  	v62 =	vmul.f32 v56, v11;
	v5 =	vsub.f32 v5, v7;
	v63 =	vsub.f32 v59, v60  }
0xb4: {  	v13 =	vmul.f32 v13, v54;
	v14 =	vsub.f32 v61, v20;
	v7 =	vsub.f32 v53, v8  }
0xb5: {  	v10 =	vmul.f32 v10, v12;
	v15 =	vsub.f32 v17, v15;
	v6 =	vsub.f32 v58, v6  }
0xb6: {  	v8 =	vsub.f32 v62, v13;
	v5 =	vmul.f32 v63, v5;
	v7 =	vmul.f32 v14, v7  }
0xb7: {  	v9 =	vadd.f32 v21, v9  }
0xb8: {  	v10 =	vadd.f32 v15, v10;
	v6 =	vmul.f32 v8, v6;
	v5 =	vsub.f32 v5, v7;
	_ =	sdelay $0x1  }
0xb9: {  	v7 =	vadd.f32 v10, v9;
	v5 =	vadd.f32 v5, v6;
	_ =	sdelay $0x1  }
0xba: {  	v5 =	vadd.f32 v5, v7;
	_ =	sdelay $0x1  }
0xbb: {  	(xrf2) =	vadd.scan.msk.f32 $0xffff, v5;
	_ =	sdelay $0x9  }
0xbc: {  	v5, _, _ =	vpop (xrf2)  }
0xbd: {  	(v2sf) =	vpush v5, $0xF;
	_ =	sdelay $0xd  }
0xbe: {  	p0 =	sne.s32 s18, $0x20  }
.Ltmp4:
0xbf: {  	s30 =	spop (v2sf);
	(pc) =	sbr.rel @p0 .LBB2_6-.Ltmp4, $4  }
0xc0: {  	s20 =	sadd.s32 $0xFFFFFFF0, s17;
	s19 =	sand.u32 $0x7FFFFFFF, s30  }
0xc1: {  	v6 =	vmov s20;
	v5 =	vmov s17;
	s31 =	smul.f32 $1.666666720e-01, s19  }
0xc2: {  	vm2 =	veq.s32 v6, v1;
	vm1 =	veq.s32 v5, v1  }
0xc3: {  	s17 =	smov.u32 s18;
	v4 =	vsel vm1, s31, v4;
	v3 =	vsel vm2, s31, v3  }
0xc4: {  	s16 =	sadd.s32 $0x1, s16  }
0xc5: {  	[tilespmem:$0x16630] =	vst v4;
	p0 =	sne.s32 s16, s10  }
.Ltmp5:
0xc6: {  	[tilespmem:$0x16640] =	vst v3;
	(pc) =	sbr.rel @p0 .LBB2_1-.Ltmp5, $4  }
0xc7: {  	[hbm4b:s9+s4] =	stream.linear.scatter [tilespmem:s15], [sflag:$0x3], $0x20, $0x38;
	[tilespmem:$0x16650] =	vst v63  }
0xc8: {  	_ =	swait.ge [sflag:s12], $0x20  }
0xc9: {  	[sflag:s12] =	ssyncset.done $0x0  }
0xca: {  	[sflag:s12] =	ssyncadd.s32 $0xFFFFFFE0  }
0xcb: {  	_ =	sfence.sel $0x180000  }
0xcc: {  	[bflag:$0x0] =	sbarrier.arrive $0xFFFF  }
0xcd: {  	p0 =	sne.s32 s3, $0x0;
	_ =	strace $0x9000004A  }
0xce: {  	s0 =	sadd.s32 @!p0 $0x100000, s0;
	[bflag:$0x2] =	sbarrier.arrive $0xFFFF  }
0xcf: {  	[sflag:s0] =	ssyncadd.tile.s32 @!p0 $0x1;
	_ =	shalt  }
.Lfunc_end2:
_tile_overlayer_lowered:
.L_overlay_start_2:
0xd0: {  	(tag) =	ssettag $0x2  }
0xd1: {  	s0 =	rddreg [dreg:$0x0];
	s2 =	stileid.u32  }
0xd2: {  	s1 =	rddreg [dreg:$0x1];
	p0 =	sne.s32 s2, $0x0  }
0xd3: {  	s3 =	rddreg [dreg:$0x2];
	[bflag:$0x3] =	sbarrier.arrive $0xFFFF;
	s2 =	simm.s32 @!p0 $0x1C03  }
0xd4: {  	[timem:s3], [sflag:s2] =	dma.local @!p0 [hbm:s0], s1  }
0xd5: {  	s0 =	simm.s32 @!p0 $0x3  }
0xd6: {  	_ =	swait.ge @!p0 [sflag:s0], s1  }
0xd7: {  	s1 =	ssub.s32 @!p0 $0x0, s1;
	[sflag:s0] =	ssyncset.done @!p0 $0x0  }
0xd8: {  	[sflag:s0] =	ssyncadd.s32 @!p0 s1  }
0xd9: {  	[bflag:$0x3] =	sbarrier.arrive $0xFFFF  }
0xda: {  	_ =	shalt  }

// kernel: sparse-core-data-format-call.cloned.1.call-start
scs
called_computation_lowered:
.L_overlay_start_0:
0x0: {  	s1 =	sld [smem:$0x3FD9]  }
0x1: {  	s2 =	sld [smem:$0x3FFE];
	_ =	sdelay $0x1  }
0x2: {  	s3 =	srdreg.scid  }
0x3: {  	s0 =	sand.u32 $0x1, s3  }
0x4: {  	s17 =	sshll.u32 s0, $0xA;
	s1 =	sadd.s32 s2, s1  }
0x5: {  	s1 =	sadd.s32 s1, s17  }
0x6: {  	[smem:$0x3FC4] =	sst s1  }
0x7: {  	_ = 	snop  }
0x8: {  	(tm) =	ssettm $0x1  }
0x9: {  	s18 =	sld [smem:$0x3FFB];
	_ =	sdelay $0x3  }
0xa: {  	_ =	strace s18  }
0xb: {  	s1 =	sld [smem:$0x3FFC];
	_ =	sdelay $0x3  }
0xc: {  	_ =	strace s1  }
0xd: {  	s1 =	sld [smem:$0x3FFD];
	_ =	sdelay $0x3  }
0xe: {  	_ =	strace s1  }
0xf: {  	_ =	strace $0x8FFFFFFF  }
0x10: {  	s19 =	sld [smem:$0x3FDB];
	_ =	sdelay $0x1  }
0x11: {  	s20 =	simm.s32 $_scs_section_size  }
0x12: {  	s4 =	simm.s32 $_size__tile_overlayer_lowered;
	s5 =	simm.s32 $_tile_overlayer_lowered  }
0x13: {  	s23 =	simm.s32 $0x1BFF;
	s22 =	sshll.u32 s5, $0x1;
	s1 =	sadd.s32 s20, s19  }
0x14: {  	s6 =	simm.s32 $0x0;
	s21 =	sshll.u32 s4, $0x1;
	s4 =	sadd.s32 s22, s1  }
0x15: {  	[timem:s6], [sflag:s23] =	dma.local [hbm:s4], s21  }
0x16: {  	_ =	swait.ge [sflag:s23], s21  }
0x17: {  	s2 =	ssub.s32 $0x0, s21;
	[sflag:s23] =	ssyncset.done $0x0  }
0x18: {  	[sflag:s23] =	ssyncadd.s32 s2;
	_ =	sdelay $0x1  }
0x19: {  	s24 =	simm.s32 $0x1B8B  }
0x1a: {  	_ =	swait.ge [sflag:s24], $0x1  }
0x1b: {  	[sflag:s24] =	ssyncset.done $0x0  }
0x1c: {  	s26 =	simm.s32 $0x1B8E;
	s25 =	sld [smem:$0x3FFE];
	[sflag:s24] =	ssyncadd.s32 $0xFFFFFFFF  }
0x1d: {  	s27 =	simm.s32 $execute0_lowered;
	[smem:$0x3FD2] =	sst s26  }
0x1e: {  	s4 =	sshll.u32 s27, $0x1;
	_ =	strace $0x80000046;
	[dreg:$0x1] =	wrdreg $0xFFFFFFFF  }
0x1f: {  	s28 =	simm.s32 $_size_execute0_lowered;
	s1 =	sadd.s32 s1, s4;
	[dreg:$0x0] =	wrdreg $0x0  }
0x20: {  	s4 =	sshll.u32 s28, $0x1;
	[dreg:$0x2] =	wrdreg s1  }
0x21: {  	[dreg:$0x3] =	wrdreg s4  }
0x22: {  	[dreg:$0x4] =	wrdreg $0xC0  }
0x23: {  	_ =	task [dreg:s6], $0x5FFFF  }
0x24: {  	[dreg:$0x1] =	wrdreg $0xFFFFFFFF  }
0x25: {  	[dreg:$0x0] =	wrdreg $0x60  }
0x26: {  	[dreg:$0x2] =	wrdreg s25  }
0x27: {  	[dreg:$0x3] =	wrdreg $0x9  }
0x28: {  	_ =	task.clear_ibuf [dreg:s6], $0x4FFFF;
	_ =	strace $0x90000046  }
0x29: {  	s29 =	simm.s32 $0x9;
	_ =	strace $0x80000048  }
0x2a: {  	_ =	swait.ge [sflag:s29], $0x1  }
0x2b: {  	[sflag:s29] =	ssyncadd.s32 $0xFFFFFFFF  }
0x2c: {  	_ =	strace $0x90000048  }
0x2d: {  	_ =	sfence  }
0x2e: {  	s30 =	sld [smem:$0x0];
	_ =	sdelay $0x2  }
0x2f: {  	s31 =	sshll.u32 s3, $0xD;
	s3 =	sshrl.u32 s3, $0x2  }
0x30: {  	s2 =	sand.u32 $0x4000, s31;
	s1 =	sadd.s32 s3, s30  }
0x31: {  	s0 =	sor.u32 s2, s0;
	s1 =	sshll.u32 s1, $0x11  }
0x32: {  	s0 =	sor.u32 s1, s0  }
0x33: {  	s0 =	sadd.s32 $0x8F2B, s0  }
0x34: {  	[sflag:s0] =	ssyncadd.remote.s32 $0x1  }
0x35: {  	_ =	sfence.sel $0xFFFF  }
0x36: {  	[dreg:$0x0] =	wrdreg $0xFFFFFFFF;
	(pc) =	sbr.abs _section_cstart, $3  }
0x37: {  	[dreg:$0x1] =	wrdreg $0xFFFFFFFF  }
0x38: {  	_ =	task.clear_ibuf [dreg:s6], $0x2FFFF;
	_ =	strace $0x9FFFFFFF  }
0x39: {  	(tm) =	ssettm $0x7FFFFFFF  }
tec
execute0_lowered:
.L_overlay_start_1:
0x0: {  	(tag) =	ssettag $0x1  }
0x1: {  	s0 =	srdreg.scid  }
0x2: {  	s1 =	sshll.u32 s0, $0x4  }
0x3: {  	s7 =	rddreg [dreg:$0x0];
	s0 =	stileid.u32;
	s1 =	sand.u32 $0x10, s1  }
0x4: {  	s31 =	simm.s32 $0x2;
	s14 =	simm.s32 $0x0;
	s8 =	sor.u32 s0, s1  }
0x5: {  	s13 =	simm.s32 $0x0;
	s12 =	simm.s32 $0x0;
	s2 =	sshll.u32 s8, $0x5  }
0x6: {  	s3 =	sadd.s32 $0x35DE00, s7;
	s4 =	sshll.u32 s0, $0x7;
	s2 =	sand.u32 $0x380, s2  }
0x7: {  	s1 =	rddreg [dreg:$0x1];
	s4 =	sand.u32 $0x180, s4;
	s5 =	ssub.s32 $0x400, s2  }
0x8: {  	_ =	strace $0x80000047;
	s9 =	ssub.s32 $0x5080, s4;
	s6 =	sand.u32 $0x380, s5  }
0x9: {  	s9 =	sshrl.u32 s9, $0x9;
	p0 =	sne.s32 s6, $0x0;
	s6 =	simm.s32 $0x1  }
.Ltmp0:
0xa: {  	s10 =	sshrl.u32 s5, $0xA;
	s6 =	simm.s32 @!p0 $0x0;
	(pc) =	sbr.rel .LBB1_1-.Ltmp0, $4  }
0xb: {  	s9 =	sadd.s32 $0x1, s9;
	s5 =	simm.s32 $0x1;
	s6 =	sadd.s32 s6, s10  }
0xc: {  	s7 =	sadd.s32 $0xA00, s7;
	[sflag:s5] =	ssyncpa.u1 $0x0;
	s6 =	smul.u32 s9, s6  }
0xd: {  	s8 =	sshll.u32 s8, $0x8;
	s11 =	smov.u32 s4;
	[sflag:s31] =	ssyncpa.u1 $0x0  }
0xe: {  	p0 =	por $0x0, $0x0;
	s10 =	simm.s32 $0x28800;
	s9 =	sadd.s32 $0x1, s6  }
.LBB1_4:
0xf: {  	s14 =	sshrl.u32 s14, $0x3  }
0x10: {  	s20 =	sshll.u32 s13, $0x3;
	s14 =	smul.u32 $0x28800, s14  }
0x11: {  	v5 =	vld [tilespmem:s18+$0xFFFFFFD0];
	[tilespmem:s17+$0x2040 ss:$0x81] =	vst.msk $0xffff, v4;
	s20 =	sand.u32 $0xFFFFFC00, s20  }
0x12: {  	v58 =	vld [tilespmem:s18+$0xFFFFFFE0];
	[tilespmem:s17+$0x2850 ss:$0x81] =	vst.msk $0xffff, v3;
	s30 =	sand.u32 $0x7F, s13;
	s14 =	sadd.s32 s20, s14  }
0x13: {  	s19 =	sshra.s32 s19, $0x2;
	v59 =	vld [tilespmem:s18+$0xFFFFFFF0];
	[tilespmem:s17+$0x3060 ss:$0x81] =	vst.msk $0xffff, v2;
	s13 =	sor.u32 s30, s14  }
0x14: {  	v60 =	vld [tilespmem:s18+$0x0];
	[tilespmem:s17+$0x0 ss:$0x81] =	vst.msk $0xffff, v0;
	s16 =	sadd.s32 s19, s16;
	s31 =	smulhi.u32 $0xCA4587E7, s13  }
0x15: {  	v61 =	vld [tilespmem:s18+$0x10];
	[tilespmem:s16+$0x3870 ss:$0x81] =	vst.msk $0xffff, v1  }
0x16: {  	v62 =	vld [tilespmem:s18+$0x20];
	s14 =	smulhi.u32 $0xCA4587E7, s14;
	[tilespmem:s16+$0x810 ss:$0x81] =	vst.msk $0xffff, v5;
	s17 =	sshrl.u32 s31, $0xE  }
0x17: {  	v63 =	vld [tilespmem:s18+$0xFFFFFFC0];
	[tilespmem:s16+$0x1020 ss:$0x81] =	vst.msk $0xffff, v58;
	s17 =	smul.u32 $0x5100, s17  }
0x18: {  	[tilespmem:s16+$0x1830 ss:$0x81] =	vst.msk $0xffff, v59;
	s14 =	sshrl.u32 s14, $0xE  }
0x19: {  	[tilespmem:s16+$0x2040 ss:$0x81] =	vst.msk $0xffff, v60;
	s14 =	sand.u32 $0x3FF, s14;
	s13 =	ssub.s32 s13, s17  }
0x1a: {  	[tilespmem:s16+$0x2850 ss:$0x81] =	vst.msk $0xffff, v61;
	s14 =	smul.u32 $0xA20, s14;
	s17 =	sshrl.u32 s13, $0x3;
	s13 =	sand.u32 $0x7, s13  }
0x1b: {  	[tilespmem:s16+$0x3060 ss:$0x81] =	vst.msk $0xffff, v62;
	s17 =	sadd.s32 s7, s17;
	s13 =	sshll.u32 s13, $0x12  }
0x1c: {  	[tilespmem:s16+$0x0 ss:$0x81] =	vst.msk $0xffff, v63;
	s14 =	sadd.s32 s14, s17;
	s13 =	sor.u32 $0x400, s13  }
0x1d: {  	[hbm4b:s14+s13] =	stream.strided.scatter [tilespmem:s15], [sflag:$0x2], $0x4000, s10, s13, $0x20;
	[tilespmem:$0x10100] =	vst v63  }
.LBB1_5:
0x1e: {  	s15 =	sadd.s32 $0x200, s11  }
0x1f: {  	p2 =	sgt.s32 s15, $0x50BD  }
0x20: {  	s15 =	smov.u32 @p2 s4;
	p2 =	sne.s32 s12, s9  }
.Ltmp1:
0x21: {  	p1 =	slt.u32 s12, $0x2;
	(pc) =	sbr.rel @!p2 .LBB1_6-.Ltmp1, $4  }
0x22: {  	s14 =	simm.s32 @!p1 $0x2  }
0x23: {  	s16 =	sadd.s32 $0x1, s12;
	s13 =	smov.u32 s11;
	_ =	swait.ge @!p1 [sflag:s14], $0x4000  }
0x24: {  	p0 =	por !p0, !p0;
	s12 =	smov.u32 s16;
	[sflag:s14] =	ssyncset.done @!p1 $0x0  }
0x25: {  	s11 =	smov.u32 s15;
	[sflag:s14] =	ssyncadd.s32 @!p1 $0xFFFFC000;
	s14 =	smov.u32 s2  }
.LBB1_1:
0x26: {  	p1 =	sge.u32 s12, s6  }
0x27: {  	s15 =	sshll.u32 @!p1 s11, $0xA  }
0x28: {  	s15 =	sand.u32 @!p1 $0xFFFFE000, s15  }
0x29: {  	s15 =	sor.u32 @!p1 s8, s15  }
0x2a: {  	s17 =	smov.u32 s11;
	p2 =	sgt.s32 @!p1 s11, $0x5040;
	s15 =	sshrl.u32 @!p1 s15, $0xA  }
0x2b: {  	s18 =	sshra.s32 @!p1 s11, $0x1F;
	p2 =	por !p2, p1;
	s16 =	smulhi.u32 @!p1 $0x6572ED, s15  }
0x2c: {  	s31 =	sadd.s32 $0xFFFFFFFF, s12;
	s18 =	sand.u32 @!p1 s18, s11;
	s17 =	simm.s32 @p2 $0x5040  }
0x2d: {  	s19 =	sxor.u32 @!p1 $0xFFFFFFFF, s12;
	s17 =	ssub.s32 @!p1 s17, s18;
	s16 =	sshrl.u32 @!p1 s16, $0x5  }
0x2e: {  	s18 =	sshll.u32 @!p1 s19, $0xE;
	s17 =	sadd.s32 @!p1 $0xFFFFAFC0, s17;
	s16 =	smul.u32 @!p1 $0x50C0, s16  }
0x2f: {  	s19 =	simm.s32 @!p1 $0x2000;
	s18 =	sand.u32 @!p1 $0x4000, s18;
	p2 =	sgt.s32 @!p1 s17, $0x7F  }
0x30: {  	s15 =	ssub.s32 @!p1 s15, s16;
	s16 =	sshll.u32 @!p1 s17, $0x7;
	s17 =	sshll.u32 @!p1 s11, $0x4  }
0x31: {  	p2 =	por !p2, p1;
	s16 =	ssub.s32 @!p1 $0x4000, s16;
	s17 =	sand.u32 @!p1 $0x70, s17  }
0x32: {  	s15 =	sshll.u32 @!p1 s15, $0x7;
	s16 =	sand.u32 @!p1 $0x3FFFFF80, s16;
	s17 =	sadd.s32 @!p1 s3, s17  }
0x33: {  	s16 =	simm.s32 @!p2 $0x0;
	s15 =	sadd.s32 @!p1 s15, s17;
	s17 =	simm.s32 @!p1 $0x400  }
0x34: {  	[tilespmem:s18], [sflag:$0x1] =	stream.strided.gather @!p1 [hbm4b:s15+s17], s16, s19, s17, $0x38;
	[tilespmem:$0x10100] =	vst v63  }
0x35: {  	p1 =	sge.u32 s31, s6  }
.Ltmp2:
0x36: {  	_ = 	snop;
	(pc) =	sbr.rel @p1 .LBB1_5-.Ltmp2, $1  }
0x37: {  	_ =	sdelay $0x3  }
0x38: {  	p1 =	sgt.s32 s13, $0x5040;
	s15 =	smov.u32 s13;
	s16 =	sshra.s32 s13, $0x1F  }
0x39: {  	s15 =	simm.s32 @!p1 $0x5040;
	s16 =	sand.u32 s16, s13  }
0x3a: {  	s15 =	ssub.s32 s15, s16  }
0x3b: {  	s15 =	sadd.s32 $0xFFFFAFC0, s15  }
0x3c: {  	s29 =	sshll.u32 s15, $0x7  }
0x3d: {  	s16 =	ssub.s32 $0x4000, s29  }
0x3e: {  	p1 =	sgt.s32 s15, $0x7F;
	s15 =	sand.u32 $0x3FFFFF80, s16  }
0x3f: {  	s16 =	simm.s32 $0x1;
	s15 =	simm.s32 @p1 $0x0  }
0x40: {  	s16 =	simm.s32 @!p0 $0x0;
	_ =	swait.ge [sflag:s5], s15  }
0x41: {  	s17 =	sshll.u32 s16, $0xE;
	s15 =	ssub.s32 $0x0, s15;
	[sflag:s5] =	ssyncset.done $0x0  }
0x42: {  	s18 =	sor.u32 $0x40, s17;
	[sflag:s5] =	ssyncadd.s32 s15  }
0x43: {  	s30 =	smul.u32 $0x10200, s16;
	v0 =	vld [tilespmem:s18+$0x30]  }
0x44: {  	v1 =	vld [tilespmem:s18+$0xFFFFFFD0]  }
0x45: {  	s15 =	sshrl.u32 s30, $0x2;
	v5 =	vld [tilespmem:s18+$0xFFFFFFE0]  }
0x46: {  	s16 =	sor.u32 $0x8000, s15;
	v6 =	vld [tilespmem:s18+$0xFFFFFFF0]  }
0x47: {  	s31 =	sand.u32 $0x1, s12;
	v4 =	vld [tilespmem:s18+$0x0];
	s17 =	sadd.s32 $0x0, s16  }
0x48: {  	s15 =	smul.u32 $0x10200, s31;
	v3 =	vld [tilespmem:s18+$0x10];
	[tilespmem:s17+$0x3870 ss:$0x81] =	vst.msk $0xffff, v0  }
0x49: {  	v2 =	vld [tilespmem:s18+$0x20];
	[tilespmem:s17+$0x810 ss:$0x81] =	vst.msk $0xffff, v1  }
0x4a: {  	s15 =	sshrl.u32 s15, $0x2;
	v0 =	vld [tilespmem:s18+$0xFFFFFFC0];
	[tilespmem:s17+$0x1020 ss:$0x81] =	vst.msk $0xffff, v5;
	s18 =	sadd.s32 $0x80, s18  }
0x4b: {  	s19 =	simm.s32 $0x4;
	s20 =	simm.s32 $0x8;
	s15 =	sor.u32 $0x8000, s15;
	[tilespmem:s17+$0x1830 ss:$0x81] =	vst.msk $0xffff, v6;
	v1 =	vld [tilespmem:s18+$0x30]  }
.LBB1_3:
0x4c: {  	p1 =	sne.s32 s20, $0x1FC;
	v5 =	vld [tilespmem:s18+$0xFFFFFFD0];
	[tilespmem:s17+$0x2040 ss:$0x81] =	vst.msk $0xffff, v4  }
0x4d: {  	v6 =	vld [tilespmem:s18+$0xFFFFFFE0];
	[tilespmem:s17+$0x2850 ss:$0x81] =	vst.msk $0xffff, v3  }
0x4e: {  	s21 =	sshra.s32 s19, $0x2;
	s19 =	smov.u32 s20;
	v7 =	vld [tilespmem:s18+$0xFFFFFFF0];
	[tilespmem:s17+$0x3060 ss:$0x81] =	vst.msk $0xffff, v2  }
.Ltmp3:
0x4f: {  	v4 =	vld [tilespmem:s18+$0x0];
	[tilespmem:s17+$0x0 ss:$0x81] =	vst.msk $0xffff, v0;
	s17 =	sadd.s32 s21, s16;
	(pc) =	sbr.rel @p1 .LBB1_3-.Ltmp3, $4  }
0x50: {  	v3 =	vld [tilespmem:s18+$0x10];
	[tilespmem:s17+$0x3870 ss:$0x81] =	vst.msk $0xffff, v1  }
0x51: {  	[tilespmem:s17+$0x810 ss:$0x81] =	vst.msk $0xffff, v5;
	v2 =	vld [tilespmem:s18+$0x20]  }
0x52: {  	v0 =	vld [tilespmem:s18+$0xFFFFFFC0];
	[tilespmem:s17+$0x1020 ss:$0x81] =	vst.msk $0xffff, v6;
	s18 =	sadd.s32 $0x80, s18  }
0x53: {  	s20 =	sadd.s32 $0x4, s20;
	v1 =	vld [tilespmem:s18+$0x30];
	[tilespmem:s17+$0x1830 ss:$0x81] =	vst.msk $0xffff, v7  }
.Ltmp4:
0x54: {  	_ = 	snop;
	(pc) =	sbr.rel .LBB1_4-.Ltmp4, $1  }
0x55: {  	_ =	sdelay $0x3  }
.LBB1_6:
0x56: {  	_ =	sfence.sel $0x180000  }
0x57: {  	s2 =	simm.s32 $0x1;
	[bflag:$0x0] =	sbarrier.arrive $0xFFFF  }
0x58: {  	s31 =	simm.s32 $0x2;
	[sflag:s2] =	ssyncpa.u1 $0x1  }
0x59: {  	[sflag:s31] =	ssyncpa.u1 $0x1  }
0x5a: {  	p0 =	sne.s32 s0, $0x0;
	_ =	strace $0x90000047  }
0x5b: {  	s0 =	sadd.s32 @!p0 $0x100000, s1;
	[bflag:$0x2] =	sbarrier.arrive $0xFFFF  }
0x5c: {  	[sflag:s0] =	ssyncadd.tile.s32 @!p0 $0x1;
	_ =	shalt  }
.Lfunc_end1:
_tile_overlayer_lowered:
.L_overlay_start_2:
0x5d: {  	(tag) =	ssettag $0x2  }
0x5e: {  	s0 =	rddreg [dreg:$0x0];
	s2 =	stileid.u32  }
0x5f: {  	s1 =	rddreg [dreg:$0x1];
	p0 =	sne.s32 s2, $0x0  }
0x60: {  	s3 =	rddreg [dreg:$0x2];
	[bflag:$0x3] =	sbarrier.arrive $0xFFFF;
	s2 =	simm.s32 @!p0 $0x1C01  }
0x61: {  	[timem:s3], [sflag:s2] =	dma.local @!p0 [hbm:s0], s1  }
0x62: {  	s0 =	simm.s32 @!p0 $0x1  }
0x63: {  	_ =	swait.ge @!p0 [sflag:s0], s1  }
0x64: {  	s1 =	ssub.s32 @!p0 $0x0, s1;
	[sflag:s0] =	ssyncset.done @!p0 $0x0  }
0x65: {  	[sflag:s0] =	ssyncadd.s32 @!p0 s1  }
0x66: {  	[bflag:$0x3] =	sbarrier.arrive $0xFFFF  }
0x67: {  	_ =	shalt  }

</sc_bundles>
